<compile_context>
chip_gen: v7x
topology: tpu7x:2x2x1
jax: 0.10.2.dev20260603
libtpu: 0.0.44.dev20260713+nightly
codegen_flags: <defaults>
</compile_context>

<pallas_src>
import functools

import jax
import jax.numpy as jnp
from jax import lax
from jax.experimental import pallas as pl
from jax.experimental.pallas import tpu as pltpu
from jax.experimental.pallas import tpu_sc as plsc

_N = 18432
_D = 64
_V = 8192

_TM = 2048
_CB = 2048
_LANES = 128

_NC = 2
_NS = 16
_NW = _NC * _NS
_BW = _N // _NW
_IG = 96
_NG = _BW // _IG

_EPS = 1e-12
_INT_MAX = 2**31 - 1


def _rowsum64(a2):
    acc = a2[:, 0:8]
    for k in range(1, 8):
        acc = acc + a2[:, 8 * k:8 * k + 8]
    p01 = acc[:, 0:1] + acc[:, 1:2]
    p23 = acc[:, 2:3] + acc[:, 3:4]
    p45 = acc[:, 4:5] + acc[:, 5:6]
    p67 = acc[:, 6:7] + acc[:, 7:8]
    return (p01 + p23) + (p45 + p67)


def _l2norm_rows(a):
    s = _rowsum64(a * a)
    n = jnp.sqrt(s)
    n = n + (s - n * n) / (2.0 * n)
    n = jnp.maximum(n, _EPS)
    q = a / n
    return q + (a - q * n) / n


def _lane_argmin(bd, bi):
    m = jnp.min(bd, axis=1, keepdims=True)
    cand = jnp.where(bd == m, bi, jnp.int32(_INT_MAX))
    return m, jnp.min(cand, axis=1, keepdims=True)


def _normalize_body(a_ref, o_ref):
    o_ref[...] = _l2norm_rows(a_ref[...]).astype(jnp.bfloat16)


def _normalize_bf16(a, tile):
    return pl.pallas_call(
        _normalize_body,
        grid=(a.shape[0] // tile,),
        in_specs=[pl.BlockSpec((tile, _D), lambda i: (i, 0))],
        out_specs=pl.BlockSpec((tile, _D), lambda i: (i, 0)),
        out_shape=jax.ShapeDtypeStruct(a.shape, jnp.bfloat16),
        compiler_params=pltpu.CompilerParams(
            dimension_semantics=("parallel",)),
    )(a)


def _argmin_body(x_ref, w_ref, out_ref, bd_ref, bi_ref, m1_ref, i1_ref):
    c = pl.program_id(1)

    t = lax.dot_general(x_ref[...], w_ref[...],
                        (((1,), (1,)), ((), ())),
                        preferred_element_type=jnp.float32)
    d = 2.0 - 2.0 * t

    half = pl.num_programs(1) // 2
    reset = (c == 0) | (c == half)
    bd = jnp.where(reset, jnp.inf, bd_ref[...])
    bi = jnp.where(reset, 0, bi_ref[...])

    lane = lax.broadcasted_iota(jnp.int32, (_TM, _LANES), 1)
    for k in range(_CB // _LANES):
        cols = c * _CB + k * _LANES + lane
        sk = d[:, k * _LANES:(k + 1) * _LANES]
        upd = sk < bd
        bd = jnp.where(upd, sk, bd)
        bi = jnp.where(upd, cols, bi)
    bd_ref[...] = bd
    bi_ref[...] = bi

    @pl.when(c == half - 1)
    def _():
        m1, i1 = _lane_argmin(bd_ref[...], bi_ref[...])
        m1_ref[...] = m1.astype(jnp.bfloat16).astype(jnp.float32)
        i1_ref[...] = i1

    @pl.when(c == pl.num_programs(1) - 1)
    def _():
        m2, i2 = _lane_argmin(bd_ref[...], bi_ref[...])
        take2 = m2 < m1_ref[...]
        out_ref[...] = jnp.where(take2, i2, i1_ref[...])


def _argmin_indices(x, W):
    return pl.pallas_call(
        _argmin_body,
        grid=(_N // _TM, _V // _CB),
        in_specs=[
            pl.BlockSpec((_TM, _D), lambda t, c: (t, 0)),
            pl.BlockSpec((_CB, _D), lambda t, c: (c, 0)),
        ],
        out_specs=pl.BlockSpec((_TM, 1), lambda t, c: (t, 0)),
        out_shape=jax.ShapeDtypeStruct((_N, 1), jnp.int32),
        scratch_shapes=[
            pltpu.VMEM((_TM, _LANES), jnp.float32),
            pltpu.VMEM((_TM, _LANES), jnp.int32),
            pltpu.VMEM((_TM, 1), jnp.float32),
            pltpu.VMEM((_TM, 1), jnp.int32),
        ],
        compiler_params=pltpu.CompilerParams(
            dimension_semantics=("parallel", "arbitrary")),
    )(x, W)


def _sc_gather_body(table_hbm, idx_hbm, out_hbm, idx_v, rows_v, sem):
    wid = lax.axis_index("s") * _NC + lax.axis_index("c")
    base = wid * _BW
    pltpu.sync_copy(idx_hbm.at[wid], idx_v)
    copies = []
    for g in range(_NG):
        copies.append(pltpu.async_copy(
            table_hbm.at[idx_v.at[g]],
            rows_v.at[pl.ds(g * _IG, _IG)],
            sem))
    for cp in copies:
        cp.wait()
    pltpu.sync_copy(rows_v, out_hbm.at[pl.ds(base, _BW)])


def _sc_gather(W, idx_groups):
    mesh = plsc.VectorSubcoreMesh(core_axis_name="c", subcore_axis_name="s")
    k = functools.partial(
        pl.kernel,
        out_type=jax.ShapeDtypeStruct((_N, _D), jnp.float32),
        scratch_types=[
            pltpu.VMEM((_NG, _IG), jnp.int32),
            pltpu.VMEM((_BW, _D), jnp.float32),
            pltpu.SemaphoreType.DMA,
        ],
        mesh=mesh,
        compiler_params=pltpu.CompilerParams(use_tc_tiling_on_sc=False),
    )(_sc_gather_body)
    return k(W, idx_groups)


def _st_loss_body(x_ref, q_ref, st_ref, loss_ref, acc_ref):
    i = pl.program_id(0)
    x = x_ref[...]
    q = q_ref[...]
    dqx = q - x
    st_ref[...] = x + dqx
    s = jnp.sum(dqx * dqx)

    @pl.when(i == 0)
    def _():
        acc_ref[0, 0] = 0.0

    acc_ref[0, 0] += s

    @pl.when(i == pl.num_programs(0) - 1)
    def _():
        loss_ref[...] = jnp.full(
            (1, 1), acc_ref[0, 0] * (1.0 / float(_N * _D)), jnp.float32)


def _st_loss(x, q):
    return pl.pallas_call(
        _st_loss_body,
        grid=(_N // _TM,),
        in_specs=[
            pl.BlockSpec((_TM, _D), lambda i: (i, 0)),
            pl.BlockSpec((_TM, _D), lambda i: (i, 0)),
        ],
        out_specs=[
            pl.BlockSpec((_TM, _D), lambda i: (i, 0)),
            pl.BlockSpec((1, 1), lambda i: (0, 0)),
        ],
        out_shape=[
            jax.ShapeDtypeStruct((_N, _D), jnp.float32),
            jax.ShapeDtypeStruct((1, 1), jnp.float32),
        ],
        scratch_shapes=[pltpu.SMEM((1, 1), jnp.float32)],
        compiler_params=pltpu.CompilerParams(
            dimension_semantics=("arbitrary",)),
    )(x, q)


def kernel(inputs, W):
    x = inputs.reshape(-1, _D)
    xn = _normalize_bf16(x, _TM)
    wn = _normalize_bf16(W, _CB)
    idx2d = _argmin_indices(xn, wn)
    idx_groups = idx2d.reshape(_NW, _NG, _IG)
    q = _sc_gather(W, idx_groups)
    st, loss = _st_loss(x, q)
    return st.reshape(inputs.shape), loss.reshape(()), idx2d

# --- scband reference (transcript-rebuilt; emitter-appended) ---
"""Pipeline reference for scband-vector-quantizer-38268158607611 (READ-ONLY COPY).

The authoritative reference and input builder live on the scoring server;
editing this copy changes nothing except your own understanding.
"""

import jax, jax.numpy as jnp
import numpy as np


def _l2_normalize(x, axis, eps=1e-12):
    norm = jnp.sqrt(jnp.sum(x * x, axis=axis, keepdims=True))
    return x / jnp.maximum(norm, eps)


def setup_inputs(seed: int = 0) -> dict:
    key = jax.random.key(seed)
    k1, k2 = jax.random.split(key)
    inputs = jax.random.normal(k1, (32, 576, 64), dtype=jnp.float32)
    # embedding weight initialized normal(0, 0.01) as in the torch module
    W = jax.random.normal(k2, (8192, 64), dtype=jnp.float32) * 0.01
    return {"inputs": inputs, "W": W}


def reference(inputs, W):
    # eval-mode forward of VectorQuantizer (no EMA buffer updates)
    num_embeddings, embedding_dim = W.shape
    flat_input = inputs.reshape(-1, embedding_dim)
    codebook = _l2_normalize(W, axis=1)
    inputs_norm = _l2_normalize(flat_input, axis=1)
    distances = 2.0 - 2.0 * jnp.matmul(inputs_norm, codebook.T)
    encoding_indices = jnp.argmin(distances, axis=1)
    encodings = jax.nn.one_hot(encoding_indices, num_embeddings, dtype=flat_input.dtype)
    quantized = jnp.matmul(encodings, W).reshape(inputs.shape)
    e_latent_loss = jnp.mean((jax.lax.stop_gradient(quantized) - inputs) ** 2)
    quantized_st = inputs + jax.lax.stop_gradient(quantized - inputs)
    return quantized_st, e_latent_loss, encoding_indices[:, None]

if __name__ == "__main__":
    import jax
    _d = setup_inputs()
    print(jax.jit(kernel)(*tuple(_d.values())))

</pallas_src>

<mosaic_0001>
#map = affine_map<(d0, d1) -> (0, 0)>
#map1 = affine_map<(d0, d1) -> (0, 0, 0)>
module attributes {stable_mosaic.version = 14 : i64} {
  func.func @_sc_gather_body(%arg0: i32, %arg1: i32, %arg2: memref<8192x64xf32, #tpu.memory_space<hbm>>, %arg3: memref<32x6x96xi32, #tpu.memory_space<hbm>>, %arg4: memref<18432x64xf32, #tpu.memory_space<hbm>>, %arg5: memref<6x96xi32, #tpu.memory_space<vmem>>, %arg6: memref<576x64xf32, #tpu.memory_space<vmem>>, %arg7: memref<!tpu.dma_semaphore, #tpu.memory_space<semaphore_mem>>) attributes {dimension_semantics = [#tpu.dimension_semantics<core_parallel>, #tpu.dimension_semantics<subcore_parallel>], iteration_bounds = array<i64: 2, 16>, scalar_prefetch = 0 : i64, scratch_operands = 3 : i64, tpu.core_type = #tpu.core_type<sc_vector_subcore>, window_params = [{transform_indices = #map}, {transform_indices = #map1}, {transform_indices = #map}]} {
    %mul3A = arith.constant 2 : i32
    %mul3A_0 = arith.muli %arg1, %mul3A : i32
    %add3A = arith.addi %mul3A_0, %arg0 : i32
    %mul3A_1 = arith.constant 576 : i32
    %mul3A_2 = arith.muli %add3A, %mul3A_1 : i32
    "tpu.region"() ({
      %run_scoped3A = tpu.sem_alloc : memref<!tpu.dma_semaphore, #tpu.memory_space<semaphore_mem>>
      %dma_start3A_121 = arith.constant 0 : i32
      %dma_start3A_122 = arith.constant 0 : i32
      %dma_start3A_123 = tpu.memref_slice %arg3[%add3A, %dma_start3A_121, %dma_start3A_122] : memref<32x6x96xi32, #tpu.memory_space<hbm>> -> memref<1x6x96xi32, #tpu.memory_space<hbm>>
      %dma_start3A_124 = tpu.memref_squeeze %dma_start3A_123 : memref<1x6x96xi32, #tpu.memory_space<hbm>> -> memref<6x96xi32, #tpu.memory_space<hbm>>
      %dma_start3A_125 = arith.constant 0 : i32
      %dma_start3A_126 = arith.constant 0 : i32
      %dma_start3A_127 = tpu.memref_slice %arg3[%add3A, %dma_start3A_125, %dma_start3A_126] : memref<32x6x96xi32, #tpu.memory_space<hbm>> -> memref<1x6x96xi32, #tpu.memory_space<hbm>>
      %dma_start3A_128 = tpu.memref_squeeze %dma_start3A_127 : memref<1x6x96xi32, #tpu.memory_space<hbm>> -> memref<6x96xi32, #tpu.memory_space<hbm>>
      tpu.enqueue_dma source(%dma_start3A_128 : memref<6x96xi32, #tpu.memory_space<hbm>>) target(%arg5 : memref<6x96xi32, #tpu.memory_space<vmem>>) target_semaphore(%run_scoped3A : memref<!tpu.dma_semaphore, #tpu.memory_space<semaphore_mem>>)
      %dma_wait3A_129 = arith.constant 0 : i32
      %dma_wait3A_130 = arith.constant 0 : i32
      %dma_wait3A_131 = tpu.memref_slice %arg3[%add3A, %dma_wait3A_129, %dma_wait3A_130] : memref<32x6x96xi32, #tpu.memory_space<hbm>> -> memref<1x6x96xi32, #tpu.memory_space<hbm>>
      %dma_wait3A_132 = tpu.memref_squeeze %dma_wait3A_131 : memref<1x6x96xi32, #tpu.memory_space<hbm>> -> memref<6x96xi32, #tpu.memory_space<hbm>>
      %dma_wait3A_133 = arith.constant 0 : i32
      %dma_wait3A_134 = arith.constant 0 : i32
      %dma_wait3A_135 = tpu.memref_slice %arg3[%add3A, %dma_wait3A_133, %dma_wait3A_134] : memref<32x6x96xi32, #tpu.memory_space<hbm>> -> memref<1x6x96xi32, #tpu.memory_space<hbm>>
      %dma_wait3A_136 = tpu.memref_squeeze %dma_wait3A_135 : memref<1x6x96xi32, #tpu.memory_space<hbm>> -> memref<6x96xi32, #tpu.memory_space<hbm>>
      tpu.wait_dma2 semaphore(%run_scoped3A : memref<!tpu.dma_semaphore, #tpu.memory_space<semaphore_mem>>) src(%dma_wait3A_136 : memref<6x96xi32, #tpu.memory_space<hbm>>) dst(%arg5 : memref<6x96xi32, #tpu.memory_space<vmem>>)
      tpu.yield
    }) : () -> ()
    %dma_start3A = arith.constant 0 : i32
    %dma_start3A_3 = arith.constant 0 : i32
    %dma_start3A_4 = arith.constant 0 : i32
    %dma_start3A_5 = tpu.memref_slice %arg6[%dma_start3A_3, %dma_start3A_4] : memref<576x64xf32, #tpu.memory_space<vmem>> -> memref<96x64xf32, #tpu.memory_space<vmem>>
    %dma_start3A_6 = arith.constant 0 : i32
    %dma_start3A_7 = tpu.memref_slice %arg5[%dma_start3A, %dma_start3A_6] : memref<6x96xi32, #tpu.memory_space<vmem>> -> memref<1x96xi32, #tpu.memory_space<vmem>>
    %dma_start3A_8 = tpu.memref_squeeze %dma_start3A_7 : memref<1x96xi32, #tpu.memory_space<vmem>> -> memref<96xi32, #tpu.memory_space<vmem>>
    %dma_start3A_9 = arith.constant 0 : i32
    %dma_start3A_10 = arith.constant 0 : i32
    %dma_start3A_11 = tpu.memref_slice %arg2[%dma_start3A_9, %dma_start3A_10] : memref<8192x64xf32, #tpu.memory_space<hbm>> -> memref<8192x64xf32, #tpu.memory_space<hbm>>
    tpu.enqueue_indirect_dma source(%dma_start3A_11 : memref<8192x64xf32, #tpu.memory_space<hbm>>) target(%dma_start3A_5 : memref<96x64xf32, #tpu.memory_space<vmem>>) offsets(%dma_start3A_8 : memref<96xi32, #tpu.memory_space<vmem>>) semaphore(%arg7 : memref<!tpu.dma_semaphore, #tpu.memory_space<semaphore_mem>>)
    %dma_start3A_12 = arith.constant 1 : i32
    %dma_start3A_13 = arith.constant 96 : i32
    %dma_start3A_14 = arith.constant 0 : i32
    %dma_start3A_15 = tpu.memref_slice %arg6[%dma_start3A_13, %dma_start3A_14] : memref<576x64xf32, #tpu.memory_space<vmem>> -> memref<96x64xf32, #tpu.memory_space<vmem>>
    %dma_start3A_16 = arith.constant 0 : i32
    %dma_start3A_17 = tpu.memref_slice %arg5[%dma_start3A_12, %dma_start3A_16] : memref<6x96xi32, #tpu.memory_space<vmem>> -> memref<1x96xi32, #tpu.memory_space<vmem>>
    %dma_start3A_18 = tpu.memref_squeeze %dma_start3A_17 : memref<1x96xi32, #tpu.memory_space<vmem>> -> memref<96xi32, #tpu.memory_space<vmem>>
    %dma_start3A_19 = arith.constant 0 : i32
    %dma_start3A_20 = arith.constant 0 : i32
    %dma_start3A_21 = tpu.memref_slice %arg2[%dma_start3A_19, %dma_start3A_20] : memref<8192x64xf32, #tpu.memory_space<hbm>> -> memref<8192x64xf32, #tpu.memory_space<hbm>>
    tpu.enqueue_indirect_dma source(%dma_start3A_21 : memref<8192x64xf32, #tpu.memory_space<hbm>>) target(%dma_start3A_15 : memref<96x64xf32, #tpu.memory_space<vmem>>) offsets(%dma_start3A_18 : memref<96xi32, #tpu.memory_space<vmem>>) semaphore(%arg7 : memref<!tpu.dma_semaphore, #tpu.memory_space<semaphore_mem>>)
    %dma_start3A_22 = arith.constant 2 : i32
    %dma_start3A_23 = arith.constant 192 : i32
    %dma_start3A_24 = arith.constant 0 : i32
    %dma_start3A_25 = tpu.memref_slice %arg6[%dma_start3A_23, %dma_start3A_24] : memref<576x64xf32, #tpu.memory_space<vmem>> -> memref<96x64xf32, #tpu.memory_space<vmem>>
    %dma_start3A_26 = arith.constant 0 : i32
    %dma_start3A_27 = tpu.memref_slice %arg5[%dma_start3A_22, %dma_start3A_26] : memref<6x96xi32, #tpu.memory_space<vmem>> -> memref<1x96xi32, #tpu.memory_space<vmem>>
    %dma_start3A_28 = tpu.memref_squeeze %dma_start3A_27 : memref<1x96xi32, #tpu.memory_space<vmem>> -> memref<96xi32, #tpu.memory_space<vmem>>
    %dma_start3A_29 = arith.constant 0 : i32
    %dma_start3A_30 = arith.constant 0 : i32
    %dma_start3A_31 = tpu.memref_slice %arg2[%dma_start3A_29, %dma_start3A_30] : memref<8192x64xf32, #tpu.memory_space<hbm>> -> memref<8192x64xf32, #tpu.memory_space<hbm>>
    tpu.enqueue_indirect_dma source(%dma_start3A_31 : memref<8192x64xf32, #tpu.memory_space<hbm>>) target(%dma_start3A_25 : memref<96x64xf32, #tpu.memory_space<vmem>>) offsets(%dma_start3A_28 : memref<96xi32, #tpu.memory_space<vmem>>) semaphore(%arg7 : memref<!tpu.dma_semaphore, #tpu.memory_space<semaphore_mem>>)
    %dma_start3A_32 = arith.constant 3 : i32
    %dma_start3A_33 = arith.constant 288 : i32
    %dma_start3A_34 = arith.constant 0 : i32
    %dma_start3A_35 = tpu.memref_slice %arg6[%dma_start3A_33, %dma_start3A_34] : memref<576x64xf32, #tpu.memory_space<vmem>> -> memref<96x64xf32, #tpu.memory_space<vmem>>
    %dma_start3A_36 = arith.constant 0 : i32
    %dma_start3A_37 = tpu.memref_slice %arg5[%dma_start3A_32, %dma_start3A_36] : memref<6x96xi32, #tpu.memory_space<vmem>> -> memref<1x96xi32, #tpu.memory_space<vmem>>
    %dma_start3A_38 = tpu.memref_squeeze %dma_start3A_37 : memref<1x96xi32, #tpu.memory_space<vmem>> -> memref<96xi32, #tpu.memory_space<vmem>>
    %dma_start3A_39 = arith.constant 0 : i32
    %dma_start3A_40 = arith.constant 0 : i32
    %dma_start3A_41 = tpu.memref_slice %arg2[%dma_start3A_39, %dma_start3A_40] : memref<8192x64xf32, #tpu.memory_space<hbm>> -> memref<8192x64xf32, #tpu.memory_space<hbm>>
    tpu.enqueue_indirect_dma source(%dma_start3A_41 : memref<8192x64xf32, #tpu.memory_space<hbm>>) target(%dma_start3A_35 : memref<96x64xf32, #tpu.memory_space<vmem>>) offsets(%dma_start3A_38 : memref<96xi32, #tpu.memory_space<vmem>>) semaphore(%arg7 : memref<!tpu.dma_semaphore, #tpu.memory_space<semaphore_mem>>)
    %dma_start3A_42 = arith.constant 4 : i32
    %dma_start3A_43 = arith.constant 384 : i32
    %dma_start3A_44 = arith.constant 0 : i32
    %dma_start3A_45 = tpu.memref_slice %arg6[%dma_start3A_43, %dma_start3A_44] : memref<576x64xf32, #tpu.memory_space<vmem>> -> memref<96x64xf32, #tpu.memory_space<vmem>>
    %dma_start3A_46 = arith.constant 0 : i32
    %dma_start3A_47 = tpu.memref_slice %arg5[%dma_start3A_42, %dma_start3A_46] : memref<6x96xi32, #tpu.memory_space<vmem>> -> memref<1x96xi32, #tpu.memory_space<vmem>>
    %dma_start3A_48 = tpu.memref_squeeze %dma_start3A_47 : memref<1x96xi32, #tpu.memory_space<vmem>> -> memref<96xi32, #tpu.memory_space<vmem>>
    %dma_start3A_49 = arith.constant 0 : i32
    %dma_start3A_50 = arith.constant 0 : i32
    %dma_start3A_51 = tpu.memref_slice %arg2[%dma_start3A_49, %dma_start3A_50] : memref<8192x64xf32, #tpu.memory_space<hbm>> -> memref<8192x64xf32, #tpu.memory_space<hbm>>
    tpu.enqueue_indirect_dma source(%dma_start3A_51 : memref<8192x64xf32, #tpu.memory_space<hbm>>) target(%dma_start3A_45 : memref<96x64xf32, #tpu.memory_space<vmem>>) offsets(%dma_start3A_48 : memref<96xi32, #tpu.memory_space<vmem>>) semaphore(%arg7 : memref<!tpu.dma_semaphore, #tpu.memory_space<semaphore_mem>>)
    %dma_start3A_52 = arith.constant 5 : i32
    %dma_start3A_53 = arith.constant 480 : i32
    %dma_start3A_54 = arith.constant 0 : i32
    %dma_start3A_55 = tpu.memref_slice %arg6[%dma_start3A_53, %dma_start3A_54] : memref<576x64xf32, #tpu.memory_space<vmem>> -> memref<96x64xf32, #tpu.memory_space<vmem>>
    %dma_start3A_56 = arith.constant 0 : i32
    %dma_start3A_57 = tpu.memref_slice %arg5[%dma_start3A_52, %dma_start3A_56] : memref<6x96xi32, #tpu.memory_space<vmem>> -> memref<1x96xi32, #tpu.memory_space<vmem>>
    %dma_start3A_58 = tpu.memref_squeeze %dma_start3A_57 : memref<1x96xi32, #tpu.memory_space<vmem>> -> memref<96xi32, #tpu.memory_space<vmem>>
    %dma_start3A_59 = arith.constant 0 : i32
    %dma_start3A_60 = arith.constant 0 : i32
    %dma_start3A_61 = tpu.memref_slice %arg2[%dma_start3A_59, %dma_start3A_60] : memref<8192x64xf32, #tpu.memory_space<hbm>> -> memref<8192x64xf32, #tpu.memory_space<hbm>>
    tpu.enqueue_indirect_dma source(%dma_start3A_61 : memref<8192x64xf32, #tpu.memory_space<hbm>>) target(%dma_start3A_55 : memref<96x64xf32, #tpu.memory_space<vmem>>) offsets(%dma_start3A_58 : memref<96xi32, #tpu.memory_space<vmem>>) semaphore(%arg7 : memref<!tpu.dma_semaphore, #tpu.memory_space<semaphore_mem>>)
    %dma_wait3A = arith.constant 0 : i32
    %dma_wait3A_62 = arith.constant 0 : i32
    %dma_wait3A_63 = arith.constant 0 : i32
    %dma_wait3A_64 = tpu.memref_slice %arg6[%dma_wait3A_62, %dma_wait3A_63] : memref<576x64xf32, #tpu.memory_space<vmem>> -> memref<96x64xf32, #tpu.memory_space<vmem>>
    %dma_wait3A_65 = arith.constant 0 : i32
    %dma_wait3A_66 = tpu.memref_slice %arg5[%dma_wait3A, %dma_wait3A_65] : memref<6x96xi32, #tpu.memory_space<vmem>> -> memref<1x96xi32, #tpu.memory_space<vmem>>
    %dma_wait3A_67 = tpu.memref_squeeze %dma_wait3A_66 : memref<1x96xi32, #tpu.memory_space<vmem>> -> memref<96xi32, #tpu.memory_space<vmem>>
    %dma_wait3A_68 = arith.constant 0 : i32
    %dma_wait3A_69 = arith.constant 0 : i32
    %dma_wait3A_70 = tpu.memref_slice %arg2[%dma_wait3A_68, %dma_wait3A_69] : memref<8192x64xf32, #tpu.memory_space<hbm>> -> memref<8192x64xf32, #tpu.memory_space<hbm>>
    tpu.wait_indirect_dma semaphore(%arg7 : memref<!tpu.dma_semaphore, #tpu.memory_space<semaphore_mem>>) src(%dma_wait3A_70 : memref<8192x64xf32, #tpu.memory_space<hbm>>) dst(%dma_wait3A_64 : memref<96x64xf32, #tpu.memory_space<vmem>>)
    %dma_wait3A_71 = arith.constant 1 : i32
    %dma_wait3A_72 = arith.constant 96 : i32
    %dma_wait3A_73 = arith.constant 0 : i32
    %dma_wait3A_74 = tpu.memref_slice %arg6[%dma_wait3A_72, %dma_wait3A_73] : memref<576x64xf32, #tpu.memory_space<vmem>> -> memref<96x64xf32, #tpu.memory_space<vmem>>
    %dma_wait3A_75 = arith.constant 0 : i32
    %dma_wait3A_76 = tpu.memref_slice %arg5[%dma_wait3A_71, %dma_wait3A_75] : memref<6x96xi32, #tpu.memory_space<vmem>> -> memref<1x96xi32, #tpu.memory_space<vmem>>
    %dma_wait3A_77 = tpu.memref_squeeze %dma_wait3A_76 : memref<1x96xi32, #tpu.memory_space<vmem>> -> memref<96xi32, #tpu.memory_space<vmem>>
    %dma_wait3A_78 = arith.constant 0 : i32
    %dma_wait3A_79 = arith.constant 0 : i32
    %dma_wait3A_80 = tpu.memref_slice %arg2[%dma_wait3A_78, %dma_wait3A_79] : memref<8192x64xf32, #tpu.memory_space<hbm>> -> memref<8192x64xf32, #tpu.memory_space<hbm>>
    tpu.wait_indirect_dma semaphore(%arg7 : memref<!tpu.dma_semaphore, #tpu.memory_space<semaphore_mem>>) src(%dma_wait3A_80 : memref<8192x64xf32, #tpu.memory_space<hbm>>) dst(%dma_wait3A_74 : memref<96x64xf32, #tpu.memory_space<vmem>>)
    %dma_wait3A_81 = arith.constant 2 : i32
    %dma_wait3A_82 = arith.constant 192 : i32
    %dma_wait3A_83 = arith.constant 0 : i32
    %dma_wait3A_84 = tpu.memref_slice %arg6[%dma_wait3A_82, %dma_wait3A_83] : memref<576x64xf32, #tpu.memory_space<vmem>> -> memref<96x64xf32, #tpu.memory_space<vmem>>
    %dma_wait3A_85 = arith.constant 0 : i32
    %dma_wait3A_86 = tpu.memref_slice %arg5[%dma_wait3A_81, %dma_wait3A_85] : memref<6x96xi32, #tpu.memory_space<vmem>> -> memref<1x96xi32, #tpu.memory_space<vmem>>
    %dma_wait3A_87 = tpu.memref_squeeze %dma_wait3A_86 : memref<1x96xi32, #tpu.memory_space<vmem>> -> memref<96xi32, #tpu.memory_space<vmem>>
    %dma_wait3A_88 = arith.constant 0 : i32
    %dma_wait3A_89 = arith.constant 0 : i32
    %dma_wait3A_90 = tpu.memref_slice %arg2[%dma_wait3A_88, %dma_wait3A_89] : memref<8192x64xf32, #tpu.memory_space<hbm>> -> memref<8192x64xf32, #tpu.memory_space<hbm>>
    tpu.wait_indirect_dma semaphore(%arg7 : memref<!tpu.dma_semaphore, #tpu.memory_space<semaphore_mem>>) src(%dma_wait3A_90 : memref<8192x64xf32, #tpu.memory_space<hbm>>) dst(%dma_wait3A_84 : memref<96x64xf32, #tpu.memory_space<vmem>>)
    %dma_wait3A_91 = arith.constant 3 : i32
    %dma_wait3A_92 = arith.constant 288 : i32
    %dma_wait3A_93 = arith.constant 0 : i32
    %dma_wait3A_94 = tpu.memref_slice %arg6[%dma_wait3A_92, %dma_wait3A_93] : memref<576x64xf32, #tpu.memory_space<vmem>> -> memref<96x64xf32, #tpu.memory_space<vmem>>
    %dma_wait3A_95 = arith.constant 0 : i32
    %dma_wait3A_96 = tpu.memref_slice %arg5[%dma_wait3A_91, %dma_wait3A_95] : memref<6x96xi32, #tpu.memory_space<vmem>> -> memref<1x96xi32, #tpu.memory_space<vmem>>
    %dma_wait3A_97 = tpu.memref_squeeze %dma_wait3A_96 : memref<1x96xi32, #tpu.memory_space<vmem>> -> memref<96xi32, #tpu.memory_space<vmem>>
    %dma_wait3A_98 = arith.constant 0 : i32
    %dma_wait3A_99 = arith.constant 0 : i32
    %dma_wait3A_100 = tpu.memref_slice %arg2[%dma_wait3A_98, %dma_wait3A_99] : memref<8192x64xf32, #tpu.memory_space<hbm>> -> memref<8192x64xf32, #tpu.memory_space<hbm>>
    tpu.wait_indirect_dma semaphore(%arg7 : memref<!tpu.dma_semaphore, #tpu.memory_space<semaphore_mem>>) src(%dma_wait3A_100 : memref<8192x64xf32, #tpu.memory_space<hbm>>) dst(%dma_wait3A_94 : memref<96x64xf32, #tpu.memory_space<vmem>>)
    %dma_wait3A_101 = arith.constant 4 : i32
    %dma_wait3A_102 = arith.constant 384 : i32
    %dma_wait3A_103 = arith.constant 0 : i32
    %dma_wait3A_104 = tpu.memref_slice %arg6[%dma_wait3A_102, %dma_wait3A_103] : memref<576x64xf32, #tpu.memory_space<vmem>> -> memref<96x64xf32, #tpu.memory_space<vmem>>
    %dma_wait3A_105 = arith.constant 0 : i32
    %dma_wait3A_106 = tpu.memref_slice %arg5[%dma_wait3A_101, %dma_wait3A_105] : memref<6x96xi32, #tpu.memory_space<vmem>> -> memref<1x96xi32, #tpu.memory_space<vmem>>
    %dma_wait3A_107 = tpu.memref_squeeze %dma_wait3A_106 : memref<1x96xi32, #tpu.memory_space<vmem>> -> memref<96xi32, #tpu.memory_space<vmem>>
    %dma_wait3A_108 = arith.constant 0 : i32
    %dma_wait3A_109 = arith.constant 0 : i32
    %dma_wait3A_110 = tpu.memref_slice %arg2[%dma_wait3A_108, %dma_wait3A_109] : memref<8192x64xf32, #tpu.memory_space<hbm>> -> memref<8192x64xf32, #tpu.memory_space<hbm>>
    tpu.wait_indirect_dma semaphore(%arg7 : memref<!tpu.dma_semaphore, #tpu.memory_space<semaphore_mem>>) src(%dma_wait3A_110 : memref<8192x64xf32, #tpu.memory_space<hbm>>) dst(%dma_wait3A_104 : memref<96x64xf32, #tpu.memory_space<vmem>>)
    %dma_wait3A_111 = arith.constant 5 : i32
    %dma_wait3A_112 = arith.constant 480 : i32
    %dma_wait3A_113 = arith.constant 0 : i32
    %dma_wait3A_114 = tpu.memref_slice %arg6[%dma_wait3A_112, %dma_wait3A_113] : memref<576x64xf32, #tpu.memory_space<vmem>> -> memref<96x64xf32, #tpu.memory_space<vmem>>
    %dma_wait3A_115 = arith.constant 0 : i32
    %dma_wait3A_116 = tpu.memref_slice %arg5[%dma_wait3A_111, %dma_wait3A_115] : memref<6x96xi32, #tpu.memory_space<vmem>> -> memref<1x96xi32, #tpu.memory_space<vmem>>
    %dma_wait3A_117 = tpu.memref_squeeze %dma_wait3A_116 : memref<1x96xi32, #tpu.memory_space<vmem>> -> memref<96xi32, #tpu.memory_space<vmem>>
    %dma_wait3A_118 = arith.constant 0 : i32
    %dma_wait3A_119 = arith.constant 0 : i32
    %dma_wait3A_120 = tpu.memref_slice %arg2[%dma_wait3A_118, %dma_wait3A_119] : memref<8192x64xf32, #tpu.memory_space<hbm>> -> memref<8192x64xf32, #tpu.memory_space<hbm>>
    tpu.wait_indirect_dma semaphore(%arg7 : memref<!tpu.dma_semaphore, #tpu.memory_space<semaphore_mem>>) src(%dma_wait3A_120 : memref<8192x64xf32, #tpu.memory_space<hbm>>) dst(%dma_wait3A_114 : memref<96x64xf32, #tpu.memory_space<vmem>>)
    "tpu.region"() ({
      %run_scoped3A = tpu.sem_alloc : memref<!tpu.dma_semaphore, #tpu.memory_space<semaphore_mem>>
      %dma_start3A_121 = arith.constant 0 : i32
      %dma_start3A_122 = tpu.memref_slice %arg4[%mul3A_2, %dma_start3A_121] : memref<18432x64xf32, #tpu.memory_space<hbm>> -> memref<576x64xf32, #tpu.memory_space<hbm>>
      %dma_start3A_123 = arith.constant 0 : i32
      %dma_start3A_124 = tpu.memref_slice %arg4[%mul3A_2, %dma_start3A_123] : memref<18432x64xf32, #tpu.memory_space<hbm>> -> memref<576x64xf32, #tpu.memory_space<hbm>>
      tpu.enqueue_dma source(%arg6 : memref<576x64xf32, #tpu.memory_space<vmem>>) target(%dma_start3A_124 : memref<576x64xf32, #tpu.memory_space<hbm>>) target_semaphore(%run_scoped3A : memref<!tpu.dma_semaphore, #tpu.memory_space<semaphore_mem>>)
      %dma_wait3A_125 = arith.constant 0 : i32
      %dma_wait3A_126 = tpu.memref_slice %arg4[%mul3A_2, %dma_wait3A_125] : memref<18432x64xf32, #tpu.memory_space<hbm>> -> memref<576x64xf32, #tpu.memory_space<hbm>>
      %dma_wait3A_127 = arith.constant 0 : i32
      %dma_wait3A_128 = tpu.memref_slice %arg4[%mul3A_2, %dma_wait3A_127] : memref<18432x64xf32, #tpu.memory_space<hbm>> -> memref<576x64xf32, #tpu.memory_space<hbm>>
      tpu.wait_dma2 semaphore(%run_scoped3A : memref<!tpu.dma_semaphore, #tpu.memory_space<semaphore_mem>>) src(%arg6 : memref<576x64xf32, #tpu.memory_space<vmem>>) dst(%dma_wait3A_128 : memref<576x64xf32, #tpu.memory_space<hbm>>)
      tpu.yield
    }) : () -> ()
    return
  }
}

module attributes {stable_mosaic.version = 14 : i64} {
  func.func @_normalize_body(%arg0: i32, %arg1: memref<2048x64xf32, #tpu.memory_space<vmem>>, %arg2: memref<2048x64xbf16, #tpu.memory_space<vmem>>) attributes {dimension_semantics = [#tpu.dimension_semantics<parallel>], iteration_bounds = array<i64: 4>, scalar_prefetch = 0 : i64, scratch_operands = 0 : i64, tpu.core_type = #tpu.core_type<tc>, window_params = [{transform_indices = @transform_0, window_bounds = array<i64: 2048, 64>}, {transform_indices = @transform_1, window_bounds = array<i64: 2048, 64>}]} {
    %get3A = arith.constant 0 : index
    %get3A_0 = arith.constant 0 : index
    %get3A_1 = vector.load %arg1[%get3A, %get3A_0] : memref<2048x64xf32, #tpu.memory_space<vmem>>, vector<2048x64xf32>
    %mul3A = arith.mulf %get3A_1, %get3A_1 : vector<2048x64xf32>
    %slice3A = vector.extract_strided_slice %mul3A {offsets = [0, 0], sizes = [2048, 8], strides = [1, 1]} : vector<2048x64xf32> to vector<2048x8xf32>
    %slice3A_2 = vector.extract_strided_slice %mul3A {offsets = [0, 8], sizes = [2048, 8], strides = [1, 1]} : vector<2048x64xf32> to vector<2048x8xf32>
    %add3A = arith.addf %slice3A, %slice3A_2 : vector<2048x8xf32>
    %slice3A_3 = vector.extract_strided_slice %mul3A {offsets = [0, 16], sizes = [2048, 8], strides = [1, 1]} : vector<2048x64xf32> to vector<2048x8xf32>
    %add3A_4 = arith.addf %add3A, %slice3A_3 : vector<2048x8xf32>
    %slice3A_5 = vector.extract_strided_slice %mul3A {offsets = [0, 24], sizes = [2048, 8], strides = [1, 1]} : vector<2048x64xf32> to vector<2048x8xf32>
    %add3A_6 = arith.addf %add3A_4, %slice3A_5 : vector<2048x8xf32>
    %slice3A_7 = vector.extract_strided_slice %mul3A {offsets = [0, 32], sizes = [2048, 8], strides = [1, 1]} : vector<2048x64xf32> to vector<2048x8xf32>
    %add3A_8 = arith.addf %add3A_6, %slice3A_7 : vector<2048x8xf32>
    %slice3A_9 = vector.extract_strided_slice %mul3A {offsets = [0, 40], sizes = [2048, 8], strides = [1, 1]} : vector<2048x64xf32> to vector<2048x8xf32>
    %add3A_10 = arith.addf %add3A_8, %slice3A_9 : vector<2048x8xf32>
    %slice3A_11 = vector.extract_strided_slice %mul3A {offsets = [0, 48], sizes = [2048, 8], strides = [1, 1]} : vector<2048x64xf32> to vector<2048x8xf32>
    %add3A_12 = arith.addf %add3A_10, %slice3A_11 : vector<2048x8xf32>
    %slice3A_13 = vector.extract_strided_slice %mul3A {offsets = [0, 56], sizes = [2048, 8], strides = [1, 1]} : vector<2048x64xf32> to vector<2048x8xf32>
    %add3A_14 = arith.addf %add3A_12, %slice3A_13 : vector<2048x8xf32>
    %slice3A_15 = vector.extract_strided_slice %add3A_14 {offsets = [0, 0], sizes = [2048, 1], strides = [1, 1]} : vector<2048x8xf32> to vector<2048x1xf32>
    %slice3A_16 = vector.extract_strided_slice %add3A_14 {offsets = [0, 1], sizes = [2048, 1], strides = [1, 1]} : vector<2048x8xf32> to vector<2048x1xf32>
    %add3A_17 = arith.addf %slice3A_15, %slice3A_16 : vector<2048x1xf32>
    %slice3A_18 = vector.extract_strided_slice %add3A_14 {offsets = [0, 2], sizes = [2048, 1], strides = [1, 1]} : vector<2048x8xf32> to vector<2048x1xf32>
    %slice3A_19 = vector.extract_strided_slice %add3A_14 {offsets = [0, 3], sizes = [2048, 1], strides = [1, 1]} : vector<2048x8xf32> to vector<2048x1xf32>
    %add3A_20 = arith.addf %slice3A_18, %slice3A_19 : vector<2048x1xf32>
    %slice3A_21 = vector.extract_strided_slice %add3A_14 {offsets = [0, 4], sizes = [2048, 1], strides = [1, 1]} : vector<2048x8xf32> to vector<2048x1xf32>
    %slice3A_22 = vector.extract_strided_slice %add3A_14 {offsets = [0, 5], sizes = [2048, 1], strides = [1, 1]} : vector<2048x8xf32> to vector<2048x1xf32>
    %add3A_23 = arith.addf %slice3A_21, %slice3A_22 : vector<2048x1xf32>
    %slice3A_24 = vector.extract_strided_slice %add3A_14 {offsets = [0, 6], sizes = [2048, 1], strides = [1, 1]} : vector<2048x8xf32> to vector<2048x1xf32>
    %slice3A_25 = vector.extract_strided_slice %add3A_14 {offsets = [0, 7], sizes = [2048, 1], strides = [1, 1]} : vector<2048x8xf32> to vector<2048x1xf32>
    %add3A_26 = arith.addf %slice3A_24, %slice3A_25 : vector<2048x1xf32>
    %add3A_27 = arith.addf %add3A_17, %add3A_20 : vector<2048x1xf32>
    %add3A_28 = arith.addf %add3A_23, %add3A_26 : vector<2048x1xf32>
    %add3A_29 = arith.addf %add3A_27, %add3A_28 : vector<2048x1xf32>
    %sqrt3A = math.sqrt %add3A_29 : vector<2048x1xf32>
    %mul3A_30 = arith.mulf %sqrt3A, %sqrt3A : vector<2048x1xf32>
    %sub3A = arith.subf %add3A_29, %mul3A_30 : vector<2048x1xf32>
    %mul3A_31 = arith.constant 2.000000e+00 : f32
    %mul3A_32 = vector.broadcast %mul3A_31 : f32 to vector<2048x1xf32>
    %mul3A_33 = arith.mulf %mul3A_32, %sqrt3A : vector<2048x1xf32>
    %div3A = arith.divf %sub3A, %mul3A_33 : vector<2048x1xf32>
    %add3A_34 = arith.addf %sqrt3A, %div3A : vector<2048x1xf32>
    %max3A = arith.constant 9.99999996E-13 : f32
    %max3A_35 = vector.broadcast %max3A : f32 to vector<2048x1xf32>
    %max3A_36 = arith.maximumf %add3A_34, %max3A_35 : vector<2048x1xf32>
    %div3A_37 = vector.broadcast %max3A_36 : vector<2048x1xf32> to vector<2048x64xf32>
    %div3A_38 = arith.divf %get3A_1, %div3A_37 : vector<2048x64xf32>
    %mul3A_39 = vector.broadcast %max3A_36 : vector<2048x1xf32> to vector<2048x64xf32>
    %mul3A_40 = arith.mulf %div3A_38, %mul3A_39 : vector<2048x64xf32>
    %sub3A_41 = arith.subf %get3A_1, %mul3A_40 : vector<2048x64xf32>
    %div3A_42 = vector.broadcast %max3A_36 : vector<2048x1xf32> to vector<2048x64xf32>
    %div3A_43 = arith.divf %sub3A_41, %div3A_42 : vector<2048x64xf32>
    %add3A_44 = arith.addf %div3A_38, %div3A_43 : vector<2048x64xf32>
    %convert_element_type3A = arith.truncf %add3A_44 : vector<2048x64xf32> to vector<2048x64xbf16>
    %swap3A = arith.constant 0 : index
    %swap3A_45 = arith.constant 0 : index
    %swap3A_46 = vector.load %arg2[%swap3A, %swap3A_45] : memref<2048x64xbf16, #tpu.memory_space<vmem>>, vector<2048x64xbf16>
    tpu.vector_store %arg2[%swap3A, %swap3A_45], %convert_element_type3A {strides = array<i32>} : memref<2048x64xbf16, #tpu.memory_space<vmem>>, vector<2048x64xbf16>,
    return
  }
  func.func @transform_0(%arg0: i32) -> (i32, i32) {
    %c0_i32 = arith.constant 0 : i32
    %c0_i32_0 = arith.constant 0 : i32
    return %arg0, %c0_i32 : i32, i32
  }
  func.func @transform_1(%arg0: i32) -> (i32, i32) {
    %c0_i32 = arith.constant 0 : i32
    %c0_i32_0 = arith.constant 0 : i32
    return %arg0, %c0_i32 : i32, i32
  }
}

module attributes {stable_mosaic.version = 14 : i64} {
  func.func @_normalize_body(%arg0: i32, %arg1: memref<2048x64xf32, #tpu.memory_space<vmem>>, %arg2: memref<2048x64xbf16, #tpu.memory_space<vmem>>) attributes {dimension_semantics = [#tpu.dimension_semantics<parallel>], iteration_bounds = array<i64: 9>, scalar_prefetch = 0 : i64, scratch_operands = 0 : i64, tpu.core_type = #tpu.core_type<tc>, window_params = [{transform_indices = @transform_0, window_bounds = array<i64: 2048, 64>}, {transform_indices = @transform_1, window_bounds = array<i64: 2048, 64>}]} {
    %get3A = arith.constant 0 : index
    %get3A_0 = arith.constant 0 : index
    %get3A_1 = vector.load %arg1[%get3A, %get3A_0] : memref<2048x64xf32, #tpu.memory_space<vmem>>, vector<2048x64xf32>
    %mul3A = arith.mulf %get3A_1, %get3A_1 : vector<2048x64xf32>
    %slice3A = vector.extract_strided_slice %mul3A {offsets = [0, 0], sizes = [2048, 8], strides = [1, 1]} : vector<2048x64xf32> to vector<2048x8xf32>
    %slice3A_2 = vector.extract_strided_slice %mul3A {offsets = [0, 8], sizes = [2048, 8], strides = [1, 1]} : vector<2048x64xf32> to vector<2048x8xf32>
    %add3A = arith.addf %slice3A, %slice3A_2 : vector<2048x8xf32>
    %slice3A_3 = vector.extract_strided_slice %mul3A {offsets = [0, 16], sizes = [2048, 8], strides = [1, 1]} : vector<2048x64xf32> to vector<2048x8xf32>
    %add3A_4 = arith.addf %add3A, %slice3A_3 : vector<2048x8xf32>
    %slice3A_5 = vector.extract_strided_slice %mul3A {offsets = [0, 24], sizes = [2048, 8], strides = [1, 1]} : vector<2048x64xf32> to vector<2048x8xf32>
    %add3A_6 = arith.addf %add3A_4, %slice3A_5 : vector<2048x8xf32>
    %slice3A_7 = vector.extract_strided_slice %mul3A {offsets = [0, 32], sizes = [2048, 8], strides = [1, 1]} : vector<2048x64xf32> to vector<2048x8xf32>
    %add3A_8 = arith.addf %add3A_6, %slice3A_7 : vector<2048x8xf32>
    %slice3A_9 = vector.extract_strided_slice %mul3A {offsets = [0, 40], sizes = [2048, 8], strides = [1, 1]} : vector<2048x64xf32> to vector<2048x8xf32>
    %add3A_10 = arith.addf %add3A_8, %slice3A_9 : vector<2048x8xf32>
    %slice3A_11 = vector.extract_strided_slice %mul3A {offsets = [0, 48], sizes = [2048, 8], strides = [1, 1]} : vector<2048x64xf32> to vector<2048x8xf32>
    %add3A_12 = arith.addf %add3A_10, %slice3A_11 : vector<2048x8xf32>
    %slice3A_13 = vector.extract_strided_slice %mul3A {offsets = [0, 56], sizes = [2048, 8], strides = [1, 1]} : vector<2048x64xf32> to vector<2048x8xf32>
    %add3A_14 = arith.addf %add3A_12, %slice3A_13 : vector<2048x8xf32>
    %slice3A_15 = vector.extract_strided_slice %add3A_14 {offsets = [0, 0], sizes = [2048, 1], strides = [1, 1]} : vector<2048x8xf32> to vector<2048x1xf32>
    %slice3A_16 = vector.extract_strided_slice %add3A_14 {offsets = [0, 1], sizes = [2048, 1], strides = [1, 1]} : vector<2048x8xf32> to vector<2048x1xf32>
    %add3A_17 = arith.addf %slice3A_15, %slice3A_16 : vector<2048x1xf32>
    %slice3A_18 = vector.extract_strided_slice %add3A_14 {offsets = [0, 2], sizes = [2048, 1], strides = [1, 1]} : vector<2048x8xf32> to vector<2048x1xf32>
    %slice3A_19 = vector.extract_strided_slice %add3A_14 {offsets = [0, 3], sizes = [2048, 1], strides = [1, 1]} : vector<2048x8xf32> to vector<2048x1xf32>
    %add3A_20 = arith.addf %slice3A_18, %slice3A_19 : vector<2048x1xf32>
    %slice3A_21 = vector.extract_strided_slice %add3A_14 {offsets = [0, 4], sizes = [2048, 1], strides = [1, 1]} : vector<2048x8xf32> to vector<2048x1xf32>
    %slice3A_22 = vector.extract_strided_slice %add3A_14 {offsets = [0, 5], sizes = [2048, 1], strides = [1, 1]} : vector<2048x8xf32> to vector<2048x1xf32>
    %add3A_23 = arith.addf %slice3A_21, %slice3A_22 : vector<2048x1xf32>
    %slice3A_24 = vector.extract_strided_slice %add3A_14 {offsets = [0, 6], sizes = [2048, 1], strides = [1, 1]} : vector<2048x8xf32> to vector<2048x1xf32>
    %slice3A_25 = vector.extract_strided_slice %add3A_14 {offsets = [0, 7], sizes = [2048, 1], strides = [1, 1]} : vector<2048x8xf32> to vector<2048x1xf32>
    %add3A_26 = arith.addf %slice3A_24, %slice3A_25 : vector<2048x1xf32>
    %add3A_27 = arith.addf %add3A_17, %add3A_20 : vector<2048x1xf32>
    %add3A_28 = arith.addf %add3A_23, %add3A_26 : vector<2048x1xf32>
    %add3A_29 = arith.addf %add3A_27, %add3A_28 : vector<2048x1xf32>
    %sqrt3A = math.sqrt %add3A_29 : vector<2048x1xf32>
    %mul3A_30 = arith.mulf %sqrt3A, %sqrt3A : vector<2048x1xf32>
    %sub3A = arith.subf %add3A_29, %mul3A_30 : vector<2048x1xf32>
    %mul3A_31 = arith.constant 2.000000e+00 : f32
    %mul3A_32 = vector.broadcast %mul3A_31 : f32 to vector<2048x1xf32>
    %mul3A_33 = arith.mulf %mul3A_32, %sqrt3A : vector<2048x1xf32>
    %div3A = arith.divf %sub3A, %mul3A_33 : vector<2048x1xf32>
    %add3A_34 = arith.addf %sqrt3A, %div3A : vector<2048x1xf32>
    %max3A = arith.constant 9.99999996E-13 : f32
    %max3A_35 = vector.broadcast %max3A : f32 to vector<2048x1xf32>
    %max3A_36 = arith.maximumf %add3A_34, %max3A_35 : vector<2048x1xf32>
    %div3A_37 = vector.broadcast %max3A_36 : vector<2048x1xf32> to vector<2048x64xf32>
    %div3A_38 = arith.divf %get3A_1, %div3A_37 : vector<2048x64xf32>
    %mul3A_39 = vector.broadcast %max3A_36 : vector<2048x1xf32> to vector<2048x64xf32>
    %mul3A_40 = arith.mulf %div3A_38, %mul3A_39 : vector<2048x64xf32>
    %sub3A_41 = arith.subf %get3A_1, %mul3A_40 : vector<2048x64xf32>
    %div3A_42 = vector.broadcast %max3A_36 : vector<2048x1xf32> to vector<2048x64xf32>
    %div3A_43 = arith.divf %sub3A_41, %div3A_42 : vector<2048x64xf32>
    %add3A_44 = arith.addf %div3A_38, %div3A_43 : vector<2048x64xf32>
    %convert_element_type3A = arith.truncf %add3A_44 : vector<2048x64xf32> to vector<2048x64xbf16>
    %swap3A = arith.constant 0 : index
    %swap3A_45 = arith.constant 0 : index
    %swap3A_46 = vector.load %arg2[%swap3A, %swap3A_45] : memref<2048x64xbf16, #tpu.memory_space<vmem>>, vector<2048x64xbf16>
    tpu.vector_store %arg2[%swap3A, %swap3A_45], %convert_element_type3A {strides = array<i32>} : memref<2048x64xbf16, #tpu.memory_space<vmem>>, vector<2048x64xbf16>,
    return
  }
  func.func @transform_0(%arg0: i32) -> (i32, i32) {
    %c0_i32 = arith.constant 0 : i32
    %c0_i32_0 = arith.constant 0 : i32
    return %arg0, %c0_i32 : i32, i32
  }
  func.func @transform_1(%arg0: i32) -> (i32, i32) {
    %c0_i32 = arith.constant 0 : i32
    %c0_i32_0 = arith.constant 0 : i32
    return %arg0, %c0_i32 : i32, i32
  }
}

module attributes {stable_mosaic.version = 14 : i64} {
  func.func @_argmin_body(%arg0: i32, %arg1: i32, %arg2: memref<2048x64xbf16, #tpu.memory_space<vmem>>, %arg3: memref<2048x64xbf16, #tpu.memory_space<vmem>>, %arg4: memref<2048x1xi32, #tpu.memory_space<vmem>>, %arg5: memref<2048x128xf32, #tpu.memory_space<vmem>>, %arg6: memref<2048x128xi32, #tpu.memory_space<vmem>>, %arg7: memref<2048x1xf32, #tpu.memory_space<vmem>>, %arg8: memref<2048x1xi32, #tpu.memory_space<vmem>>) attributes {dimension_semantics = [#tpu.dimension_semantics<parallel>, #tpu.dimension_semantics<arbitrary>], iteration_bounds = array<i64: 9, 4>, scalar_prefetch = 0 : i64, scratch_operands = 4 : i64, tpu.core_type = #tpu.core_type<tc>, window_params = [{transform_indices = @transform_0, window_bounds = array<i64: 2048, 64>}, {transform_indices = @transform_1, window_bounds = array<i64: 2048, 64>}, {transform_indices = @transform_2, window_bounds = array<i64: 2048, 1>}]} {
    %get3A = arith.constant 0 : index
    %get3A_0 = arith.constant 0 : index
    %get3A_1 = vector.load %arg2[%get3A, %get3A_0] : memref<2048x64xbf16, #tpu.memory_space<vmem>>, vector<2048x64xbf16>
    %get3A_2 = arith.constant 0 : index
    %get3A_3 = arith.constant 0 : index
    %get3A_4 = vector.load %arg3[%get3A_2, %get3A_3] : memref<2048x64xbf16, #tpu.memory_space<vmem>>, vector<2048x64xbf16>
    %dot_general3A = arith.constant dense<0.000000e+00> : vector<2048x2048xf32>
    %dot_general3A_5 = tpu.matmul %get3A_1, %get3A_4, %dot_general3A {dimension_numbers = #tpu.dot_dimension_numbers<[1], [1], [0], [0], [0, 0, 1, 0], [], []>, transpose_lhs_hint = false} : vector<2048x64xbf16>, vector<2048x64xbf16>, vector<2048x2048xf32> -> vector<2048x2048xf32>
    %mul3A = arith.constant 2.000000e+00 : f32
    %mul3A_6 = vector.broadcast %mul3A : f32 to vector<2048x2048xf32>
    %mul3A_7 = arith.mulf %mul3A_6, %dot_general3A_5 : vector<2048x2048xf32>
    %sub3A = arith.constant 2.000000e+00 : f32
    %sub3A_8 = vector.broadcast %sub3A : f32 to vector<2048x2048xf32>
    %sub3A_9 = arith.subf %sub3A_8, %mul3A_7 : vector<2048x2048xf32>
    %eq3A = arith.constant 0 : i32
    %eq3A_10 = arith.cmpi eq, %arg1, %eq3A : i32
    %eq3A_11 = arith.constant 2 : i32
    %eq3A_12 = arith.cmpi eq, %arg1, %eq3A_11 : i32
    %or3A = arith.ori %eq3A_10, %eq3A_12 : i1
    %get3A_13 = arith.constant 0 : index
    %get3A_14 = arith.constant 0 : index
    %get3A_15 = vector.load %arg5[%get3A_13, %get3A_14] : memref<2048x128xf32, #tpu.memory_space<vmem>>, vector<2048x128xf32>
    %jit3A = arith.constant 0x7F800000 : f32
    %broadcast_in_dim3A = vector.broadcast %jit3A : f32 to vector<2048x128xf32>
    %select_n3A = arith.select %or3A, %broadcast_in_dim3A, %get3A_15 : vector<2048x128xf32>
    %get3A_16 = arith.constant 0 : index
    %get3A_17 = arith.constant 0 : index
    %get3A_18 = vector.load %arg6[%get3A_16, %get3A_17] : memref<2048x128xi32, #tpu.memory_space<vmem>>, vector<2048x128xi32>
    %jit3A_19 = arith.constant 0 : i32
    %broadcast_in_dim3A_20 = vector.broadcast %jit3A_19 : i32 to vector<2048x128xi32>
    %select_n3A_21 = arith.select %or3A, %broadcast_in_dim3A_20, %get3A_18 : vector<2048x128xi32>
    %iota3A = tpu.iota {dimensions = array<i32: 1>} : vector<2048x128xi32>
    %mul3A_22 = arith.constant 2048 : i32
    %mul3A_23 = arith.muli %arg1, %mul3A_22 : i32
    %add3A = arith.constant 0 : i32
    %add3A_24 = arith.addi %mul3A_23, %add3A : i32
    %add3A_25 = vector.broadcast %add3A_24 : i32 to vector<2048x128xi32>
    %add3A_26 = arith.addi %add3A_25, %iota3A : vector<2048x128xi32>
    %slice3A = vector.extract_strided_slice %sub3A_9 {offsets = [0, 0], sizes = [2048, 128], strides = [1, 1]} : vector<2048x2048xf32> to vector<2048x128xf32>
    %lt3A = arith.cmpf olt, %slice3A, %select_n3A : vector<2048x128xf32>
    %select_n3A_27 = arith.select %lt3A, %slice3A, %select_n3A : vector<2048x128xi1>, vector<2048x128xf32>
    %select_n3A_28 = arith.select %lt3A, %add3A_26, %select_n3A_21 : vector<2048x128xi1>, vector<2048x128xi32>
    %mul3A_29 = arith.constant 2048 : i32
    %mul3A_30 = arith.muli %arg1, %mul3A_29 : i32
    %add3A_31 = arith.constant 128 : i32
    %add3A_32 = arith.addi %mul3A_30, %add3A_31 : i32
    %add3A_33 = vector.broadcast %add3A_32 : i32 to vector<2048x128xi32>
    %add3A_34 = arith.addi %add3A_33, %iota3A : vector<2048x128xi32>
    %slice3A_35 = vector.extract_strided_slice %sub3A_9 {offsets = [0, 128], sizes = [2048, 128], strides = [1, 1]} : vector<2048x2048xf32> to vector<2048x128xf32>
    %lt3A_36 = arith.cmpf olt, %slice3A_35, %select_n3A_27 : vector<2048x128xf32>
    %select_n3A_37 = arith.select %lt3A_36, %slice3A_35, %select_n3A_27 : vector<2048x128xi1>, vector<2048x128xf32>
    %select_n3A_38 = arith.select %lt3A_36, %add3A_34, %select_n3A_28 : vector<2048x128xi1>, vector<2048x128xi32>
    %mul3A_39 = arith.constant 2048 : i32
    %mul3A_40 = arith.muli %arg1, %mul3A_39 : i32
    %add3A_41 = arith.constant 256 : i32
    %add3A_42 = arith.addi %mul3A_40, %add3A_41 : i32
    %add3A_43 = vector.broadcast %add3A_42 : i32 to vector<2048x128xi32>
    %add3A_44 = arith.addi %add3A_43, %iota3A : vector<2048x128xi32>
    %slice3A_45 = vector.extract_strided_slice %sub3A_9 {offsets = [0, 256], sizes = [2048, 128], strides = [1, 1]} : vector<2048x2048xf32> to vector<2048x128xf32>
    %lt3A_46 = arith.cmpf olt, %slice3A_45, %select_n3A_37 : vector<2048x128xf32>
    %select_n3A_47 = arith.select %lt3A_46, %slice3A_45, %select_n3A_37 : vector<2048x128xi1>, vector<2048x128xf32>
    %select_n3A_48 = arith.select %lt3A_46, %add3A_44, %select_n3A_38 : vector<2048x128xi1>, vector<2048x128xi32>
    %mul3A_49 = arith.constant 2048 : i32
    %mul3A_50 = arith.muli %arg1, %mul3A_49 : i32
    %add3A_51 = arith.constant 384 : i32
    %add3A_52 = arith.addi %mul3A_50, %add3A_51 : i32
    %add3A_53 = vector.broadcast %add3A_52 : i32 to vector<2048x128xi32>
    %add3A_54 = arith.addi %add3A_53, %iota3A : vector<2048x128xi32>
    %slice3A_55 = vector.extract_strided_slice %sub3A_9 {offsets = [0, 384], sizes = [2048, 128], strides = [1, 1]} : vector<2048x2048xf32> to vector<2048x128xf32>
    %lt3A_56 = arith.cmpf olt, %slice3A_55, %select_n3A_47 : vector<2048x128xf32>
    %select_n3A_57 = arith.select %lt3A_56, %slice3A_55, %select_n3A_47 : vector<2048x128xi1>, vector<2048x128xf32>
    %select_n3A_58 = arith.select %lt3A_56, %add3A_54, %select_n3A_48 : vector<2048x128xi1>, vector<2048x128xi32>
    %mul3A_59 = arith.constant 2048 : i32
    %mul3A_60 = arith.muli %arg1, %mul3A_59 : i32
    %add3A_61 = arith.constant 512 : i32
    %add3A_62 = arith.addi %mul3A_60, %add3A_61 : i32
    %add3A_63 = vector.broadcast %add3A_62 : i32 to vector<2048x128xi32>
    %add3A_64 = arith.addi %add3A_63, %iota3A : vector<2048x128xi32>
    %slice3A_65 = vector.extract_strided_slice %sub3A_9 {offsets = [0, 512], sizes = [2048, 128], strides = [1, 1]} : vector<2048x2048xf32> to vector<2048x128xf32>
    %lt3A_66 = arith.cmpf olt, %slice3A_65, %select_n3A_57 : vector<2048x128xf32>
    %select_n3A_67 = arith.select %lt3A_66, %slice3A_65, %select_n3A_57 : vector<2048x128xi1>, vector<2048x128xf32>
    %select_n3A_68 = arith.select %lt3A_66, %add3A_64, %select_n3A_58 : vector<2048x128xi1>, vector<2048x128xi32>
    %mul3A_69 = arith.constant 2048 : i32
    %mul3A_70 = arith.muli %arg1, %mul3A_69 : i32
    %add3A_71 = arith.constant 640 : i32
    %add3A_72 = arith.addi %mul3A_70, %add3A_71 : i32
    %add3A_73 = vector.broadcast %add3A_72 : i32 to vector<2048x128xi32>
    %add3A_74 = arith.addi %add3A_73, %iota3A : vector<2048x128xi32>
    %slice3A_75 = vector.extract_strided_slice %sub3A_9 {offsets = [0, 640], sizes = [2048, 128], strides = [1, 1]} : vector<2048x2048xf32> to vector<2048x128xf32>
    %lt3A_76 = arith.cmpf olt, %slice3A_75, %select_n3A_67 : vector<2048x128xf32>
    %select_n3A_77 = arith.select %lt3A_76, %slice3A_75, %select_n3A_67 : vector<2048x128xi1>, vector<2048x128xf32>
    %select_n3A_78 = arith.select %lt3A_76, %add3A_74, %select_n3A_68 : vector<2048x128xi1>, vector<2048x128xi32>
    %mul3A_79 = arith.constant 2048 : i32
    %mul3A_80 = arith.muli %arg1, %mul3A_79 : i32
    %add3A_81 = arith.constant 768 : i32
    %add3A_82 = arith.addi %mul3A_80, %add3A_81 : i32
    %add3A_83 = vector.broadcast %add3A_82 : i32 to vector<2048x128xi32>
    %add3A_84 = arith.addi %add3A_83, %iota3A : vector<2048x128xi32>
    %slice3A_85 = vector.extract_strided_slice %sub3A_9 {offsets = [0, 768], sizes = [2048, 128], strides = [1, 1]} : vector<2048x2048xf32> to vector<2048x128xf32>
    %lt3A_86 = arith.cmpf olt, %slice3A_85, %select_n3A_77 : vector<2048x128xf32>
    %select_n3A_87 = arith.select %lt3A_86, %slice3A_85, %select_n3A_77 : vector<2048x128xi1>, vector<2048x128xf32>
    %select_n3A_88 = arith.select %lt3A_86, %add3A_84, %select_n3A_78 : vector<2048x128xi1>, vector<2048x128xi32>
    %mul3A_89 = arith.constant 2048 : i32
    %mul3A_90 = arith.muli %arg1, %mul3A_89 : i32
    %add3A_91 = arith.constant 896 : i32
    %add3A_92 = arith.addi %mul3A_90, %add3A_91 : i32
    %add3A_93 = vector.broadcast %add3A_92 : i32 to vector<2048x128xi32>
    %add3A_94 = arith.addi %add3A_93, %iota3A : vector<2048x128xi32>
    %slice3A_95 = vector.extract_strided_slice %sub3A_9 {offsets = [0, 896], sizes = [2048, 128], strides = [1, 1]} : vector<2048x2048xf32> to vector<2048x128xf32>
    %lt3A_96 = arith.cmpf olt, %slice3A_95, %select_n3A_87 : vector<2048x128xf32>
    %select_n3A_97 = arith.select %lt3A_96, %slice3A_95, %select_n3A_87 : vector<2048x128xi1>, vector<2048x128xf32>
    %select_n3A_98 = arith.select %lt3A_96, %add3A_94, %select_n3A_88 : vector<2048x128xi1>, vector<2048x128xi32>
    %mul3A_99 = arith.constant 2048 : i32
    %mul3A_100 = arith.muli %arg1, %mul3A_99 : i32
    %add3A_101 = arith.constant 1024 : i32
    %add3A_102 = arith.addi %mul3A_100, %add3A_101 : i32
    %add3A_103 = vector.broadcast %add3A_102 : i32 to vector<2048x128xi32>
    %add3A_104 = arith.addi %add3A_103, %iota3A : vector<2048x128xi32>
    %slice3A_105 = vector.extract_strided_slice %sub3A_9 {offsets = [0, 1024], sizes = [2048, 128], strides = [1, 1]} : vector<2048x2048xf32> to vector<2048x128xf32>
    %lt3A_106 = arith.cmpf olt, %slice3A_105, %select_n3A_97 : vector<2048x128xf32>
    %select_n3A_107 = arith.select %lt3A_106, %slice3A_105, %select_n3A_97 : vector<2048x128xi1>, vector<2048x128xf32>
    %select_n3A_108 = arith.select %lt3A_106, %add3A_104, %select_n3A_98 : vector<2048x128xi1>, vector<2048x128xi32>
    %mul3A_109 = arith.constant 2048 : i32
    %mul3A_110 = arith.muli %arg1, %mul3A_109 : i32
    %add3A_111 = arith.constant 1152 : i32
    %add3A_112 = arith.addi %mul3A_110, %add3A_111 : i32
    %add3A_113 = vector.broadcast %add3A_112 : i32 to vector<2048x128xi32>
    %add3A_114 = arith.addi %add3A_113, %iota3A : vector<2048x128xi32>
    %slice3A_115 = vector.extract_strided_slice %sub3A_9 {offsets = [0, 1152], sizes = [2048, 128], strides = [1, 1]} : vector<2048x2048xf32> to vector<2048x128xf32>
    %lt3A_116 = arith.cmpf olt, %slice3A_115, %select_n3A_107 : vector<2048x128xf32>
    %select_n3A_117 = arith.select %lt3A_116, %slice3A_115, %select_n3A_107 : vector<2048x128xi1>, vector<2048x128xf32>
    %select_n3A_118 = arith.select %lt3A_116, %add3A_114, %select_n3A_108 : vector<2048x128xi1>, vector<2048x128xi32>
    %mul3A_119 = arith.constant 2048 : i32
    %mul3A_120 = arith.muli %arg1, %mul3A_119 : i32
    %add3A_121 = arith.constant 1280 : i32
    %add3A_122 = arith.addi %mul3A_120, %add3A_121 : i32
    %add3A_123 = vector.broadcast %add3A_122 : i32 to vector<2048x128xi32>
    %add3A_124 = arith.addi %add3A_123, %iota3A : vector<2048x128xi32>
    %slice3A_125 = vector.extract_strided_slice %sub3A_9 {offsets = [0, 1280], sizes = [2048, 128], strides = [1, 1]} : vector<2048x2048xf32> to vector<2048x128xf32>
    %lt3A_126 = arith.cmpf olt, %slice3A_125, %select_n3A_117 : vector<2048x128xf32>
    %select_n3A_127 = arith.select %lt3A_126, %slice3A_125, %select_n3A_117 : vector<2048x128xi1>, vector<2048x128xf32>
    %select_n3A_128 = arith.select %lt3A_126, %add3A_124, %select_n3A_118 : vector<2048x128xi1>, vector<2048x128xi32>
    %mul3A_129 = arith.constant 2048 : i32
    %mul3A_130 = arith.muli %arg1, %mul3A_129 : i32
    %add3A_131 = arith.constant 1408 : i32
    %add3A_132 = arith.addi %mul3A_130, %add3A_131 : i32
    %add3A_133 = vector.broadcast %add3A_132 : i32 to vector<2048x128xi32>
    %add3A_134 = arith.addi %add3A_133, %iota3A : vector<2048x128xi32>
    %slice3A_135 = vector.extract_strided_slice %sub3A_9 {offsets = [0, 1408], sizes = [2048, 128], strides = [1, 1]} : vector<2048x2048xf32> to vector<2048x128xf32>
    %lt3A_136 = arith.cmpf olt, %slice3A_135, %select_n3A_127 : vector<2048x128xf32>
    %select_n3A_137 = arith.select %lt3A_136, %slice3A_135, %select_n3A_127 : vector<2048x128xi1>, vector<2048x128xf32>
    %select_n3A_138 = arith.select %lt3A_136, %add3A_134, %select_n3A_128 : vector<2048x128xi1>, vector<2048x128xi32>
    %mul3A_139 = arith.constant 2048 : i32
    %mul3A_140 = arith.muli %arg1, %mul3A_139 : i32
    %add3A_141 = arith.constant 1536 : i32
    %add3A_142 = arith.addi %mul3A_140, %add3A_141 : i32
    %add3A_143 = vector.broadcast %add3A_142 : i32 to vector<2048x128xi32>
    %add3A_144 = arith.addi %add3A_143, %iota3A : vector<2048x128xi32>
    %slice3A_145 = vector.extract_strided_slice %sub3A_9 {offsets = [0, 1536], sizes = [2048, 128], strides = [1, 1]} : vector<2048x2048xf32> to vector<2048x128xf32>
    %lt3A_146 = arith.cmpf olt, %slice3A_145, %select_n3A_137 : vector<2048x128xf32>
    %select_n3A_147 = arith.select %lt3A_146, %slice3A_145, %select_n3A_137 : vector<2048x128xi1>, vector<2048x128xf32>
    %select_n3A_148 = arith.select %lt3A_146, %add3A_144, %select_n3A_138 : vector<2048x128xi1>, vector<2048x128xi32>
    %mul3A_149 = arith.constant 2048 : i32
    %mul3A_150 = arith.muli %arg1, %mul3A_149 : i32
    %add3A_151 = arith.constant 1664 : i32
    %add3A_152 = arith.addi %mul3A_150, %add3A_151 : i32
    %add3A_153 = vector.broadcast %add3A_152 : i32 to vector<2048x128xi32>
    %add3A_154 = arith.addi %add3A_153, %iota3A : vector<2048x128xi32>
    %slice3A_155 = vector.extract_strided_slice %sub3A_9 {offsets = [0, 1664], sizes = [2048, 128], strides = [1, 1]} : vector<2048x2048xf32> to vector<2048x128xf32>
    %lt3A_156 = arith.cmpf olt, %slice3A_155, %select_n3A_147 : vector<2048x128xf32>
    %select_n3A_157 = arith.select %lt3A_156, %slice3A_155, %select_n3A_147 : vector<2048x128xi1>, vector<2048x128xf32>
    %select_n3A_158 = arith.select %lt3A_156, %add3A_154, %select_n3A_148 : vector<2048x128xi1>, vector<2048x128xi32>
    %mul3A_159 = arith.constant 2048 : i32
    %mul3A_160 = arith.muli %arg1, %mul3A_159 : i32
    %add3A_161 = arith.constant 1792 : i32
    %add3A_162 = arith.addi %mul3A_160, %add3A_161 : i32
    %add3A_163 = vector.broadcast %add3A_162 : i32 to vector<2048x128xi32>
    %add3A_164 = arith.addi %add3A_163, %iota3A : vector<2048x128xi32>
    %slice3A_165 = vector.extract_strided_slice %sub3A_9 {offsets = [0, 1792], sizes = [2048, 128], strides = [1, 1]} : vector<2048x2048xf32> to vector<2048x128xf32>
    %lt3A_166 = arith.cmpf olt, %slice3A_165, %select_n3A_157 : vector<2048x128xf32>
    %select_n3A_167 = arith.select %lt3A_166, %slice3A_165, %select_n3A_157 : vector<2048x128xi1>, vector<2048x128xf32>
    %select_n3A_168 = arith.select %lt3A_166, %add3A_164, %select_n3A_158 : vector<2048x128xi1>, vector<2048x128xi32>
    %mul3A_169 = arith.constant 2048 : i32
    %mul3A_170 = arith.muli %arg1, %mul3A_169 : i32
    %add3A_171 = arith.constant 1920 : i32
    %add3A_172 = arith.addi %mul3A_170, %add3A_171 : i32
    %add3A_173 = vector.broadcast %add3A_172 : i32 to vector<2048x128xi32>
    %add3A_174 = arith.addi %add3A_173, %iota3A : vector<2048x128xi32>
    %slice3A_175 = vector.extract_strided_slice %sub3A_9 {offsets = [0, 1920], sizes = [2048, 128], strides = [1, 1]} : vector<2048x2048xf32> to vector<2048x128xf32>
    %lt3A_176 = arith.cmpf olt, %slice3A_175, %select_n3A_167 : vector<2048x128xf32>
    %select_n3A_177 = arith.select %lt3A_176, %slice3A_175, %select_n3A_167 : vector<2048x128xi1>, vector<2048x128xf32>
    %select_n3A_178 = arith.select %lt3A_176, %add3A_174, %select_n3A_168 : vector<2048x128xi1>, vector<2048x128xi32>
    %swap3A = arith.constant 0 : index
    %swap3A_179 = arith.constant 0 : index
    %swap3A_180 = vector.load %arg5[%swap3A, %swap3A_179] : memref<2048x128xf32, #tpu.memory_space<vmem>>, vector<2048x128xf32>
    tpu.vector_store %arg5[%swap3A, %swap3A_179], %select_n3A_177 {strides = array<i32>} : memref<2048x128xf32, #tpu.memory_space<vmem>>, vector<2048x128xf32>,
    %swap3A_181 = arith.constant 0 : index
    %swap3A_182 = arith.constant 0 : index
    %swap3A_183 = vector.load %arg6[%swap3A_181, %swap3A_182] : memref<2048x128xi32, #tpu.memory_space<vmem>>, vector<2048x128xi32>
    tpu.vector_store %arg6[%swap3A_181, %swap3A_182], %select_n3A_178 {strides = array<i32>} : memref<2048x128xi32, #tpu.memory_space<vmem>>, vector<2048x128xi32>,
    %eq3A_184 = arith.constant 1 : i32
    %eq3A_185 = arith.cmpi eq, %arg1, %eq3A_184 : i32
    %convert_element_type3A = arith.extui %eq3A_185 : i1 to i32
    %cond3A = arith.constant 0 : i32
    %cond3A_186 = arith.cmpi ne, %convert_element_type3A, %cond3A : i32
    scf.if %cond3A_186 {
      %get3A_192 = arith.constant 0 : index
      %get3A_193 = arith.constant 0 : index
      %get3A_194 = vector.load %arg5[%get3A_192, %get3A_193] : memref<2048x128xf32, #tpu.memory_space<vmem>>, vector<2048x128xf32>
      %get3A_195 = arith.constant 0 : index
      %get3A_196 = arith.constant 0 : index
      %get3A_197 = vector.load %arg6[%get3A_195, %get3A_196] : memref<2048x128xi32, #tpu.memory_space<vmem>>, vector<2048x128xi32>
      %reduce_min3A = arith.constant dense<0x7F800000> : vector<2048xf32>
      %reduce_min3A_198 = vector.multi_reduction <minimumf>, %get3A_194, %reduce_min3A [1] : vector<2048x128xf32> to vector<2048xf32>
      %broadcast_in_dim3A_199 = vector.shape_cast %reduce_min3A_198 : vector<2048xf32> to vector<2048x1xf32>
      %eq3A_200 = vector.broadcast %broadcast_in_dim3A_199 : vector<2048x1xf32> to vector<2048x128xf32>
      %eq3A_201 = arith.cmpf oeq, %get3A_194, %eq3A_200 : vector<2048x128xf32>
      %jit3A_202 = arith.constant 2147483647 : i32
      %broadcast_in_dim3A_203 = vector.broadcast %jit3A_202 : i32 to vector<2048x128xi32>
      %select_n3A_204 = arith.select %eq3A_201, %get3A_197, %broadcast_in_dim3A_203 : vector<2048x128xi1>, vector<2048x128xi32>
      %reduce_min3A_205 = arith.constant dense<2147483647> : vector<2048xi32>
      %reduce_min3A_206 = vector.multi_reduction <minsi>, %select_n3A_204, %reduce_min3A_205 [1] : vector<2048x128xi32> to vector<2048xi32>
      %broadcast_in_dim3A_207 = vector.shape_cast %reduce_min3A_206 : vector<2048xi32> to vector<2048x1xi32>
      %convert_element_type3A_208 = arith.truncf %broadcast_in_dim3A_199 : vector<2048x1xf32> to vector<2048x1xbf16>
      %convert_element_type3A_209 = arith.extf %convert_element_type3A_208 : vector<2048x1xbf16> to vector<2048x1xf32>
      %swap3A_210 = arith.constant 0 : index
      %swap3A_211 = arith.constant 0 : index
      %swap3A_212 = vector.load %arg7[%swap3A_210, %swap3A_211] : memref<2048x1xf32, #tpu.memory_space<vmem>>, vector<2048x1xf32>
      tpu.vector_store %arg7[%swap3A_210, %swap3A_211], %convert_element_type3A_209 {strides = array<i32>} : memref<2048x1xf32, #tpu.memory_space<vmem>>, vector<2048x1xf32>,
      %swap3A_213 = arith.constant 0 : index
      %swap3A_214 = arith.constant 0 : index
      %swap3A_215 = vector.load %arg8[%swap3A_213, %swap3A_214] : memref<2048x1xi32, #tpu.memory_space<vmem>>, vector<2048x1xi32>
      tpu.vector_store %arg8[%swap3A_213, %swap3A_214], %broadcast_in_dim3A_207 {strides = array<i32>} : memref<2048x1xi32, #tpu.memory_space<vmem>>, vector<2048x1xi32>,
    } else {
    }
    %eq3A_187 = arith.constant 3 : i32
    %eq3A_188 = arith.cmpi eq, %arg1, %eq3A_187 : i32
    %convert_element_type3A_189 = arith.extui %eq3A_188 : i1 to i32
    %cond3A_190 = arith.constant 0 : i32
    %cond3A_191 = arith.cmpi ne, %convert_element_type3A_189, %cond3A_190 : i32
    scf.if %cond3A_191 {
      %get3A_192 = arith.constant 0 : index
      %get3A_193 = arith.constant 0 : index
      %get3A_194 = vector.load %arg5[%get3A_192, %get3A_193] : memref<2048x128xf32, #tpu.memory_space<vmem>>, vector<2048x128xf32>
      %get3A_195 = arith.constant 0 : index
      %get3A_196 = arith.constant 0 : index
      %get3A_197 = vector.load %arg6[%get3A_195, %get3A_196] : memref<2048x128xi32, #tpu.memory_space<vmem>>, vector<2048x128xi32>
      %reduce_min3A = arith.constant dense<0x7F800000> : vector<2048xf32>
      %reduce_min3A_198 = vector.multi_reduction <minimumf>, %get3A_194, %reduce_min3A [1] : vector<2048x128xf32> to vector<2048xf32>
      %broadcast_in_dim3A_199 = vector.shape_cast %reduce_min3A_198 : vector<2048xf32> to vector<2048x1xf32>
      %eq3A_200 = vector.broadcast %broadcast_in_dim3A_199 : vector<2048x1xf32> to vector<2048x128xf32>
      %eq3A_201 = arith.cmpf oeq, %get3A_194, %eq3A_200 : vector<2048x128xf32>
      %jit3A_202 = arith.constant 2147483647 : i32
      %broadcast_in_dim3A_203 = vector.broadcast %jit3A_202 : i32 to vector<2048x128xi32>
      %select_n3A_204 = arith.select %eq3A_201, %get3A_197, %broadcast_in_dim3A_203 : vector<2048x128xi1>, vector<2048x128xi32>
      %reduce_min3A_205 = arith.constant dense<2147483647> : vector<2048xi32>
      %reduce_min3A_206 = vector.multi_reduction <minsi>, %select_n3A_204, %reduce_min3A_205 [1] : vector<2048x128xi32> to vector<2048xi32>
      %broadcast_in_dim3A_207 = vector.shape_cast %reduce_min3A_206 : vector<2048xi32> to vector<2048x1xi32>
      %get3A_208 = arith.constant 0 : index
      %get3A_209 = arith.constant 0 : index
      %get3A_210 = vector.load %arg7[%get3A_208, %get3A_209] : memref<2048x1xf32, #tpu.memory_space<vmem>>, vector<2048x1xf32>
      %lt3A_211 = arith.cmpf olt, %broadcast_in_dim3A_199, %get3A_210 : vector<2048x1xf32>
      %get3A_212 = arith.constant 0 : index
      %get3A_213 = arith.constant 0 : index
      %get3A_214 = vector.load %arg8[%get3A_212, %get3A_213] : memref<2048x1xi32, #tpu.memory_space<vmem>>, vector<2048x1xi32>
      %select_n3A_215 = arith.select %lt3A_211, %broadcast_in_dim3A_207, %get3A_214 : vector<2048x1xi1>, vector<2048x1xi32>
      %swap3A_216 = arith.constant 0 : index
      %swap3A_217 = arith.constant 0 : index
      %swap3A_218 = vector.load %arg4[%swap3A_216, %swap3A_217] : memref<2048x1xi32, #tpu.memory_space<vmem>>, vector<2048x1xi32>
      tpu.vector_store %arg4[%swap3A_216, %swap3A_217], %select_n3A_215 {strides = array<i32>} : memref<2048x1xi32, #tpu.memory_space<vmem>>, vector<2048x1xi32>,
    } else {
    }
    return
  }
  func.func @transform_0(%arg0: i32, %arg1: i32) -> (i32, i32) {
    %c0_i32 = arith.constant 0 : i32
    %c0_i32_0 = arith.constant 0 : i32
    return %arg0, %c0_i32 : i32, i32
  }
  func.func @transform_1(%arg0: i32, %arg1: i32) -> (i32, i32) {
    %c0_i32 = arith.constant 0 : i32
    %c0_i32_0 = arith.constant 0 : i32
    return %arg1, %c0_i32 : i32, i32
  }
  func.func @transform_2(%arg0: i32, %arg1: i32) -> (i32, i32) {
    %c0_i32 = arith.constant 0 : i32
    %c0_i32_0 = arith.constant 0 : i32
    return %arg0, %c0_i32 : i32, i32
  }
}

module attributes {stable_mosaic.version = 14 : i64} {
  func.func @_st_loss_body(%arg0: i32, %arg1: memref<2048x64xf32, #tpu.memory_space<vmem>>, %arg2: memref<2048x64xf32, #tpu.memory_space<vmem>>, %arg3: memref<2048x64xf32, #tpu.memory_space<vmem>>, %arg4: memref<1x1xf32, #tpu.memory_space<vmem>>, %arg5: memref<1x1xf32, #tpu.memory_space<smem>>) attributes {dimension_semantics = [#tpu.dimension_semantics<arbitrary>], iteration_bounds = array<i64: 9>, scalar_prefetch = 0 : i64, scratch_operands = 1 : i64, tpu.core_type = #tpu.core_type<tc>, window_params = [{transform_indices = @transform_0, window_bounds = array<i64: 2048, 64>}, {transform_indices = @transform_1, window_bounds = array<i64: 2048, 64>}, {transform_indices = @transform_2, window_bounds = array<i64: 2048, 64>}, {pipeline_mode = #tpu.pipeline_mode<synchronous>, transform_indices = @transform_3, window_bounds = array<i64: 1, 1>}]} {
    %get3A = arith.constant 0 : index
    %get3A_0 = arith.constant 0 : index
    %get3A_1 = vector.load %arg1[%get3A, %get3A_0] : memref<2048x64xf32, #tpu.memory_space<vmem>>, vector<2048x64xf32>
    %get3A_2 = arith.constant 0 : index
    %get3A_3 = arith.constant 0 : index
    %get3A_4 = vector.load %arg2[%get3A_2, %get3A_3] : memref<2048x64xf32, #tpu.memory_space<vmem>>, vector<2048x64xf32>
    %sub3A = arith.subf %get3A_4, %get3A_1 : vector<2048x64xf32>
    %add3A = arith.addf %get3A_1, %sub3A : vector<2048x64xf32>
    %swap3A = arith.constant 0 : index
    %swap3A_5 = arith.constant 0 : index
    %swap3A_6 = vector.load %arg3[%swap3A, %swap3A_5] : memref<2048x64xf32, #tpu.memory_space<vmem>>, vector<2048x64xf32>
    tpu.vector_store %arg3[%swap3A, %swap3A_5], %add3A {strides = array<i32>} : memref<2048x64xf32, #tpu.memory_space<vmem>>, vector<2048x64xf32>,
    %mul3A = arith.mulf %sub3A, %sub3A : vector<2048x64xf32>
    %reduce_sum3A = vector.shape_cast %mul3A : vector<2048x64xf32> to vector<1x2048x64xf32>
    %reduce_sum3A_7 = arith.constant dense<0.000000e+00> : vector<1xf32>
    %reduce_sum3A_8 = vector.multi_reduction <add>, %reduce_sum3A, %reduce_sum3A_7 [1, 2] : vector<1x2048x64xf32> to vector<1xf32>
    %reduce_sum3A_9 = vector.shape_cast %reduce_sum3A_8 : vector<1xf32> to vector<1x1x1xf32>
    %reduce_sum3A_10 = vector.extract %reduce_sum3A_9[0, 0, 0] : f32 from vector<1x1x1xf32>
    %eq3A = arith.constant 0 : i32
    %eq3A_11 = arith.cmpi eq, %arg0, %eq3A : i32
    %convert_element_type3A = arith.extui %eq3A_11 : i1 to i32
    %cond3A = arith.constant 0 : i32
    %cond3A_12 = arith.cmpi ne, %convert_element_type3A, %cond3A : i32
    scf.if %cond3A_12 {
      %swap3A_25 = arith.constant 0.000000e+00 : f32
      %swap3A_26 = arith.constant 0 : index
      %swap3A_27 = arith.constant 0 : index
      %swap3A_28 = memref.load %arg5[%swap3A_26, %swap3A_27] : memref<1x1xf32, #tpu.memory_space<smem>>
      memref.store %swap3A_25, %arg5[%swap3A_26, %swap3A_27] : memref<1x1xf32, #tpu.memory_space<smem>>
    } else {
    }
    %get3A_13 = arith.constant 0 : index
    %get3A_14 = arith.constant 0 : index
    %get3A_15 = memref.load %arg5[%get3A_13, %get3A_14] : memref<1x1xf32, #tpu.memory_space<smem>>
    %add3A_16 = arith.addf %get3A_15, %reduce_sum3A_10 : f32
    %swap3A_17 = arith.constant 0 : index
    %swap3A_18 = arith.constant 0 : index
    %swap3A_19 = memref.load %arg5[%swap3A_17, %swap3A_18] : memref<1x1xf32, #tpu.memory_space<smem>>
    memref.store %add3A_16, %arg5[%swap3A_17, %swap3A_18] : memref<1x1xf32, #tpu.memory_space<smem>>
    %eq3A_20 = arith.constant 8 : i32
    %eq3A_21 = arith.cmpi eq, %arg0, %eq3A_20 : i32
    %convert_element_type3A_22 = arith.extui %eq3A_21 : i1 to i32
    %cond3A_23 = arith.constant 0 : i32
    %cond3A_24 = arith.cmpi ne, %convert_element_type3A_22, %cond3A_23 : i32
    scf.if %cond3A_24 {
      %get3A_25 = arith.constant 0 : index
      %get3A_26 = arith.constant 0 : index
      %get3A_27 = memref.load %arg5[%get3A_25, %get3A_26] : memref<1x1xf32, #tpu.memory_space<smem>>
      %mul3A_28 = arith.constant 8.4771051E-7 : f32
      %mul3A_29 = arith.mulf %get3A_27, %mul3A_28 : f32
      %broadcast_in_dim3A = vector.broadcast %mul3A_29 : f32 to vector<1x1xf32>
      %swap3A_30 = arith.constant 0 : index
      %swap3A_31 = arith.constant 0 : index
      %swap3A_32 = vector.load %arg4[%swap3A_30, %swap3A_31] : memref<1x1xf32, #tpu.memory_space<vmem>>, vector<1x1xf32>
      tpu.vector_store %arg4[%swap3A_30, %swap3A_31], %broadcast_in_dim3A {strides = array<i32>} : memref<1x1xf32, #tpu.memory_space<vmem>>, vector<1x1xf32>,
    } else {
    }
    return
  }
  func.func @transform_0(%arg0: i32) -> (i32, i32) {
    %c0_i32 = arith.constant 0 : i32
    %c0_i32_0 = arith.constant 0 : i32
    return %arg0, %c0_i32 : i32, i32
  }
  func.func @transform_1(%arg0: i32) -> (i32, i32) {
    %c0_i32 = arith.constant 0 : i32
    %c0_i32_0 = arith.constant 0 : i32
    return %arg0, %c0_i32 : i32, i32
  }
  func.func @transform_2(%arg0: i32) -> (i32, i32) {
    %c0_i32 = arith.constant 0 : i32
    %c0_i32_0 = arith.constant 0 : i32
    return %arg0, %c0_i32 : i32, i32
  }
  func.func @transform_3(%arg0: i32) -> (i32, i32) {
    %c0_i32 = arith.constant 0 : i32
    %c0_i32_0 = arith.constant 0 : i32
    %c0_i32_1 = arith.constant 0 : i32
    return %c0_i32, %c0_i32_0 : i32, i32
  }
}

</mosaic_0001>

<sc_bundles>
// kernel: kernel.7.cloned.1.call-start
scs
__scs_entry_jumppad:
0x0: {  	(pc) =	sbr.rel $0x88, $3  }
0x1: {  	(tag) =	ssettag $0x0;
	lr =	simm.s32 $0x1  }
0x2: {  	[smem:$0x3F9F] =	sst lr;
	_ =	strace $0xD0000000  }
0x3: {  	_ = 	snop  }
0x4: {  	_ = 	snop  }
0x5: {  	_ = 	snop  }
0x6: {  	_ = 	snop  }
0x7: {  	_ = 	snop  }
__scs_overlays_trampoline_lowered:
0x8: {  	[smem:$0x3FAE] =	sst s0  }
0x9: {  	[smem:$0x3FAF] =	sst s1  }
0xa: {  	[smem:$0x3FB0] =	sst s2  }
0xb: {  	[smem:$0x3FB1] =	sst s3  }
0xc: {  	[smem:$0x3FB2] =	sst s4  }
0xd: {  	[smem:$0x3FB3] =	sst s5  }
0xe: {  	[smem:$0x3FB4] =	sst s6  }
0xf: {  	[smem:$0x3FB5] =	sst s7  }
0x10: {  	[smem:$0x3FB6] =	sst s8  }
0x11: {  	[smem:$0x3FB7] =	sst s9;
	s0 =	simm.s32 @!p0 $0x0  }
0x12: {  	s1 =	sld [smem:$0x3F9D];
	s0 =	simm.s32 @p0 $0x1  }
0x13: {  	[smem:$0x3FB8] =	sst s0;
	s0 =	simm.s32 @!p1 $0x0  }
0x14: {  	s2 =	sld [smem:$0x3F9C];
	s0 =	simm.s32 @p1 $0x1  }
0x15: {  	[smem:$0x3FB9] =	sst s0;
	s0 =	simm.s32 @!p2 $0x0  }
0x16: {  	s3 =	sld [smem:$0x3FDB];
	s0 =	simm.s32 @p2 $0x1  }
0x17: {  	s4 =	simm.s32 $0x1BF5;
	[smem:$0x3FBB] =	sst s0  }
0x18: {  	s0 =	sld [smem:$0x3F9E];
	_ =	swait.ge [sflag:s4], $0x0  }
0x19: {  	s7 =	sld [smem:$0x3F9F]  }
0x1a: {  	s8 =	sadd.s32 $0xFFFFE003, lr  }
0x1b: {  	s9 =	sadd.s32 $0xFFFFFEF7, lr;
	s5 =	simm.s32 $0xFFFFFFFF;
	p2 =	slt.u32 s8, $0xFFFFF086  }
0x1c: {  	p1 =	slt.u32 s9, $0xF7A;
	s5 =	simm.s32 @!p2 $0x0  }
0x1d: {  	s5 =	simm.s32 @p1 $0x1;
	p0 =	seq.s32 s7, s2  }
0x1e: {  	s7 =	smul.u32 @!p0 $0xF7A, s2;
	p2 =	seq.s32 @!p0 s5, $0x0  }
0x1f: {  	s9 =	smul.u32 $0xF7A, s1;
	s8 =	simm.s32 @!p0 $0x1BF5;
	p2 =	por !p2, p0  }
0x20: {  	[sflag:s8] =	ssyncset.s32 @!p0 $0xFFFFF086;
	s6 =	sadd.s32 @!p0 s3, s7;
	s7 =	simm.s32 @!p0 $0x108  }
0x21: {  	s3 =	sadd.s32 s3, s9;
	s6 =	sadd.s32 @!p0 $0x88, s6;
	s7 =	simm.s32 @p2 $0x1082  }
0x22: {  	[simem:s7], [sflag:s8] =	dma.local @!p0 [hbm:s6], $0xF7A  }
0x23: {  	s9 =	sor.u32 $0xD0000000, s2;
	s6 =	simm.s32 $0x108;
	_ =	swait.ge @!p0 [sflag:s8], $0x0  }
0x24: {  	s3 =	sadd.s32 $0x88, s3;
	s6 =	simm.s32 @!p1 $0x1082;
	[sflag:s4] =	ssyncset.s32 $0xFFFFF086  }
0x25: {  	[simem:s6], [sflag:s4] =	dma.local [hbm:s3], $0xF7A  }
0x26: {  	[smem:$0x3F9F] =	sst s1;
	(tag) =	ssettag s2;
	_ =	strace s9  }
0x27: {  	s1 =	sld [smem:$0x3FAF]  }
0x28: {  	s2 =	sld [smem:$0x3FB0]  }
0x29: {  	s4 =	sld [smem:$0x3FB2]  }
0x2a: {  	p0 =	seq.s32 s5, $0x0;
	s5 =	sld [smem:$0x3FB3]  }
0x2b: {  	s6 =	sld [smem:$0x3FB4]  }
0x2c: {  	s7 =	sld [smem:$0x3FB5]  }
0x2d: {  	s3 =	simm.s32 $0x108;
	s8 =	sld [smem:$0x3FB6]  }
0x2e: {  	s3 =	simm.s32 @!p0 $0x1082;
	s9 =	sld [smem:$0x3FB7]  }
0x2f: {  	lr =	sadd.s32 s0, s3;
	s0 =	sld [smem:$0x3FAE]  }
0x30: {  	s3 =	sld [smem:$0x3FB1]  }
0x31: {  	[smem:$0x3FBA] =	sst s10  }
0x32: {  	s10 =	sld [smem:$0x3FB8];
	_ =	sdelay $0x3  }
0x33: {  	p0 =	seq.s32 s10, $0x1;
	s10 =	sld [smem:$0x3FBA];
	_ =	sdelay $0x3  }
0x34: {  	[smem:$0x3FBA] =	sst s10  }
0x35: {  	s10 =	sld [smem:$0x3FB9];
	_ =	sdelay $0x3  }
0x36: {  	p1 =	seq.s32 s10, $0x1;
	s10 =	sld [smem:$0x3FBA];
	_ =	sdelay $0x3  }
0x37: {  	[smem:$0x3FBA] =	sst s10  }
0x38: {  	s10 =	sld [smem:$0x3FBB]  }
0x39: {  	_ = 	snop;
	(pc) =	sbr.ind lr, $3  }
0x3a: {  	_ = 	snop  }
0x3b: {  	_ = 	snop  }
0x3c: {  	p2 =	seq.s32 s10, $0x1;
	s10 =	sld [smem:$0x3FBA]  }
0x3d: {  	_ =	shalt  }
0x3e: {  	_ =	shalt  }
0x3f: {  	_ =	shalt  }
0x40: {  	_ =	shalt  }
0x41: {  	_ =	shalt  }
0x42: {  	_ =	shalt  }
0x43: {  	_ =	shalt  }
0x44: {  	_ =	shalt  }
0x45: {  	_ =	shalt  }
0x46: {  	_ =	shalt  }
0x47: {  	_ =	shalt  }
0x48: {  	_ =	shalt  }
0x49: {  	_ =	shalt  }
0x4a: {  	_ =	shalt  }
0x4b: {  	_ =	shalt  }
0x4c: {  	_ =	shalt  }
0x4d: {  	_ =	shalt  }
0x4e: {  	_ =	shalt  }
0x4f: {  	_ =	shalt  }
0x50: {  	_ =	shalt  }
0x51: {  	_ =	shalt  }
0x52: {  	_ =	shalt  }
0x53: {  	_ =	shalt  }
0x54: {  	_ =	shalt  }
0x55: {  	_ =	shalt  }
0x56: {  	_ =	shalt  }
0x57: {  	_ =	shalt  }
0x58: {  	_ =	shalt  }
0x59: {  	_ =	shalt  }
0x5a: {  	_ =	shalt  }
0x5b: {  	_ =	shalt  }
0x5c: {  	_ =	shalt  }
0x5d: {  	_ =	shalt  }
0x5e: {  	_ =	shalt  }
0x5f: {  	_ =	shalt  }
0x60: {  	_ =	shalt  }
0x61: {  	_ =	shalt  }
0x62: {  	_ =	shalt  }
0x63: {  	_ =	shalt  }
0x64: {  	_ =	shalt  }
0x65: {  	_ =	shalt  }
0x66: {  	_ =	shalt  }
0x67: {  	_ =	shalt  }
0x68: {  	_ =	shalt  }
0x69: {  	_ =	shalt  }
0x6a: {  	_ =	shalt  }
0x6b: {  	_ =	shalt  }
0x6c: {  	_ =	shalt  }
0x6d: {  	_ =	shalt  }
0x6e: {  	_ =	shalt  }
0x6f: {  	_ =	shalt  }
0x70: {  	_ =	shalt  }
0x71: {  	_ =	shalt  }
0x72: {  	_ =	shalt  }
0x73: {  	_ =	shalt  }
0x74: {  	_ =	shalt  }
0x75: {  	_ =	shalt  }
0x76: {  	_ =	shalt  }
0x77: {  	_ =	shalt  }
0x78: {  	_ =	shalt  }
0x79: {  	_ =	shalt  }
0x7a: {  	_ =	shalt  }
0x7b: {  	_ =	shalt  }
0x7c: {  	_ =	shalt  }
0x7d: {  	_ =	shalt  }
0x7e: {  	_ =	shalt  }
0x7f: {  	_ =	shalt  }
0x80: {  	_ =	shalt  }
0x81: {  	_ =	shalt  }
0x82: {  	_ =	shalt  }
0x83: {  	_ =	shalt  }
0x84: {  	_ =	shalt  }
0x85: {  	_ =	shalt  }
0x86: {  	_ =	shalt  }
0x87: {  	_ =	shalt  }
.Lfunc_end0:
.L_simem_size_0:
called_computation_lowered:
.L_overlay_start_0:
0x88: {  	s2 =	sld [smem:$0x3FD9]  }
0x89: {  	s3 =	sld [smem:$0x3FFE];
	_ =	sdelay $0x1  }
0x8a: {  	s1 =	srdreg.scid  }
0x8b: {  	s0 =	sand.u32 $0x1, s1  }
0x8c: {  	s14 =	sshll.u32 s0, $0xA;
	s2 =	sadd.s32 s3, s2  }
0x8d: {  	s2 =	sadd.s32 s2, s14  }
0x8e: {  	[smem:$0x3FC6] =	sst s2  }
0x8f: {  	_ = 	snop  }
0x90: {  	s2 =	sld [smem:$0x3FD0];
	_ =	sdelay $0x2  }
0x91: {  	s15 =	simm.s32 $0xA;
	s4 =	simm.s32 $0x10  }
0x92: {  	[smem:s4], [sflag:s15] =	dma.local [hbm:s2], $0x1  }
0x93: {  	_ =	swait.eq [sflag:s15], $0x1  }
0x94: {  	[sflag:s15] =	ssyncset.done $0x0  }
0x95: {  	[sflag:s15] =	ssyncadd.s32 $0xFFFFFFFF  }
0x96: {  	s16 =	sld [smem:$0x10];
	(tm) =	ssettm $0x1  }
0x97: {  	s17 =	sld [smem:$0x3FFB];
	_ =	sdelay $0x3  }
0x98: {  	_ =	strace s17  }
0x99: {  	s3 =	sld [smem:$0x3FFC];
	_ =	sdelay $0x3  }
0x9a: {  	_ =	strace s3  }
0x9b: {  	s3 =	sld [smem:$0x3FFD];
	_ =	sdelay $0x3  }
0x9c: {  	_ =	strace s3  }
0x9d: {  	_ =	strace $0x8FFFFFFF  }
0x9e: {  	s18 =	sld [smem:$0x3FDB];
	_ =	sdelay $0x1  }
0x9f: {  	s19 =	simm.s32 $_scs_section_size  }
0xa0: {  	s5 =	simm.s32 $_size__tile_overlayer_lowered;
	s6 =	simm.s32 $_tile_overlayer_lowered  }
0xa1: {  	s22 =	simm.s32 $0x1BFF;
	s21 =	sshll.u32 s6, $0x1;
	s3 =	sadd.s32 s19, s18  }
0xa2: {  	s7 =	simm.s32 $0x0;
	s20 =	sshll.u32 s5, $0x1;
	s5 =	sadd.s32 s21, s3  }
0xa3: {  	[timem:s7], [sflag:s22] =	dma.local [hbm:s5], s20  }
0xa4: {  	_ =	swait.ge [sflag:s22], s20  }
0xa5: {  	s4 =	ssub.s32 $0x0, s20;
	[sflag:s22] =	ssyncset.done $0x0  }
0xa6: {  	[sflag:s22] =	ssyncadd.s32 s4;
	_ =	sdelay $0x1  }
0xa7: {  	s23 =	simm.s32 $0x1B8B  }
0xa8: {  	_ =	swait.ge [sflag:s23], $0x1  }
0xa9: {  	[sflag:s23] =	ssyncset.done $0x0  }
0xaa: {  	s25 =	simm.s32 $0x1B8E;
	s24 =	sld [smem:$0x3FFE];
	[sflag:s23] =	ssyncadd.s32 $0xFFFFFFFF  }
0xab: {  	s26 =	simm.s32 $execute0_lowered;
	[smem:$0x3FD2] =	sst s25  }
0xac: {  	s5 =	sshll.u32 s26, $0x1;
	_ =	strace $0x80000046;
	[dreg:$0x1] =	wrdreg $0xFFFFFFFF  }
0xad: {  	s28 =	simm.s32 $_size_execute0_lowered;
	s3 =	sadd.s32 s3, s5;
	[dreg:$0x0] =	wrdreg $0x0  }
0xae: {  	s5 =	sshll.u32 s28, $0x1;
	[dreg:$0x2] =	wrdreg s3  }
0xaf: {  	[dreg:$0x3] =	wrdreg s5  }
0xb0: {  	[dreg:$0x4] =	wrdreg $0xC0  }
0xb1: {  	_ =	task [dreg:s7], $0x5FFFF  }
0xb2: {  	[dreg:$0x1] =	wrdreg $0xFFFFFFFF  }
0xb3: {  	[dreg:$0x0] =	wrdreg $0x60  }
0xb4: {  	[dreg:$0x2] =	wrdreg s24  }
0xb5: {  	[dreg:$0x3] =	wrdreg s16  }
0xb6: {  	[dreg:$0x4] =	wrdreg $0x9  }
0xb7: {  	_ =	task.clear_ibuf [dreg:s7], $0x5FFFF;
	_ =	strace $0x90000046  }
0xb8: {  	s29 =	simm.s32 $0x9;
	_ =	strace $0x80000048  }
0xb9: {  	_ =	swait.ge [sflag:s29], $0x1  }
0xba: {  	[sflag:s29] =	ssyncadd.s32 $0xFFFFFFFF  }
0xbb: {  	_ =	strace $0x90000048  }
0xbc: {  	_ =	sfence  }
0xbd: {  	s30 =	sld [smem:$0x0];
	_ =	sdelay $0x2  }
0xbe: {  	s31 =	sshll.u32 s1, $0xD;
	s1 =	sshrl.u32 s1, $0x2  }
0xbf: {  	s3 =	sand.u32 $0x4000, s31;
	s1 =	sadd.s32 s1, s30  }
0xc0: {  	s0 =	sor.u32 s3, s0;
	s1 =	sshll.u32 s1, $0x11  }
0xc1: {  	s0 =	sor.u32 s1, s0  }
0xc2: {  	s0 =	sadd.s32 $0x8F2B, s0  }
0xc3: {  	[sflag:s0] =	ssyncadd.remote.s32 $0x1  }
0xc4: {  	_ =	sfence.sel $0xFFFF  }
0xc5: {  	[dreg:$0x0] =	wrdreg $0xFFFFFFFF;
	(pc) =	sbr.abs _section_cstart, $3  }
0xc6: {  	[dreg:$0x1] =	wrdreg $0xFFFFFFFF  }
0xc7: {  	_ =	task.clear_ibuf [dreg:s7], $0x2FFFF;
	_ =	strace $0x9FFFFFFF  }
0xc8: {  	(tm) =	ssettm $0x7FFFFFFF  }
0xc9: {  	_ =	shalt  }
tec
execute0_lowered:
.L_overlay_start_1:
0x0: {  	(tag) =	ssettag $0x1  }
0x1: {  	s1 =	srdreg.scid;
	s0 =	stileid.u32  }
0x2: {  	s18 =	sand.u32 $0x1, s1;
	s30 =	sshll.u32 s0, $0x1  }
0x3: {  	s5 =	rddreg [dreg:$0x0];
	s19 =	sor.u32 s18, s30  }
0x4: {  	s20 =	rddreg [dreg:$0x1];
	s3 =	smul.u32 $0x48, s19  }
0x5: {  	s2 =	simm.s32 $0x0;
	s1 =	rddreg [dreg:$0x2]  }
0x6: {  	[smem:$0x7FF] =	sst s2;
	s3 =	sadd.s32 s3, s5  }
0x7: {  	_ =	strace $0x80000047;
	s4 =	sadd.s32 $0x10A00, s3;
	s3 =	simm.s32 $0x2  }
0x8: {  	[tilespmem:s2], [sflag:$0x2] =	stream.linear.gather [hbm4b:s4+s2], $0x240, $0x38;
	[tilespmem:$0x9240] =	vst v63  }
0x9: {  	_ =	swait.ge [sflag:s3], $0x240  }
0xa: {  	s6 =	simm.s32 $0x60;
	[sflag:s3] =	ssyncset.done $0x0  }
0xb: {  	s7 =	simm.s32 $0x240;
	s5 =	sadd.s32 $0xA00, s5;
	[sflag:s3] =	ssyncadd.s32 $0xFFFFFDC0  }
0xc: {  	[tilespmem:s7], [sflag:$0x1] =	stream.indirect.gather [hbm4b:s5+s6], $0x40, s2, s6, $0xb8;
	[tilespmem:$0x9240] =	vst v63  }
0xd: {  	s8 =	simm.s32 $0x1A40  }
0xe: {  	[tilespmem:s8], [sflag:$0x1] =	stream.indirect.gather [hbm4b:s5+s6], $0x40, s6, s6, $0xb8;
	[tilespmem:$0x9240] =	vst v63  }
0xf: {  	s9 =	simm.s32 $0xC0;
	s10 =	simm.s32 $0x3240  }
0x10: {  	[tilespmem:s10], [sflag:$0x1] =	stream.indirect.gather [hbm4b:s5+s6], $0x40, s9, s6, $0xb8;
	[tilespmem:$0x9240] =	vst v63  }
0x11: {  	s11 =	simm.s32 $0x120;
	s12 =	simm.s32 $0x4A40  }
0x12: {  	[tilespmem:s12], [sflag:$0x1] =	stream.indirect.gather [hbm4b:s5+s6], $0x40, s11, s6, $0xb8;
	[tilespmem:$0x9240] =	vst v63  }
0x13: {  	s13 =	simm.s32 $0x180;
	s14 =	simm.s32 $0x6240  }
0x14: {  	[tilespmem:s14], [sflag:$0x1] =	stream.indirect.gather [hbm4b:s5+s6], $0x40, s13, s6, $0xb8;
	[tilespmem:$0x9240] =	vst v63  }
0x15: {  	s15 =	simm.s32 $0x1E0;
	s16 =	simm.s32 $0x7A40;
	s17 =	simm.s32 $0x1  }
0x16: {  	[tilespmem:s16], [sflag:$0x1] =	stream.indirect.gather [hbm4b:s5+s6], $0x40, s15, s6, $0xb8;
	[tilespmem:$0x9240] =	vst v63  }
0x17: {  	_ =	swait.ge [sflag:s17], $0x1800  }
0x18: {  	[sflag:s17] =	ssyncset.done $0x0  }
0x19: {  	[sflag:s17] =	ssyncadd.s32 $0xFFFFE800  }
0x1a: {  	_ =	swait.ge [sflag:s17], $0x1800  }
0x1b: {  	[sflag:s17] =	ssyncset.done $0x0  }
0x1c: {  	[sflag:s17] =	ssyncadd.s32 $0xFFFFE800  }
0x1d: {  	_ =	swait.ge [sflag:s17], $0x1800  }
0x1e: {  	[sflag:s17] =	ssyncset.done $0x0  }
0x1f: {  	[sflag:s17] =	ssyncadd.s32 $0xFFFFE800  }
0x20: {  	_ =	swait.ge [sflag:s17], $0x1800  }
0x21: {  	[sflag:s17] =	ssyncset.done $0x0  }
0x22: {  	s18 =	ssub.s32 $0x2, s18;
	[sflag:s17] =	ssyncadd.s32 $0xFFFFE800  }
0x23: {  	s21 =	sshrl.u32 s18, $0x1;
	_ =	swait.ge [sflag:s17], $0x1800  }
0x24: {  	s21 =	ssub.s32 s18, s21;
	[sflag:s17] =	ssyncset.done $0x0  }
0x25: {  	s31 =	smax.u32 s21, $0x1;
	[sflag:s17] =	ssyncadd.s32 $0xFFFFE800  }
0x26: {  	s19 =	smul.u32 $0x1200, s19;
	p0 =	sne.s32 s31, $0x1;
	_ =	swait.ge [sflag:s17], $0x1800  }
.Ltmp0:
0x27: {  	[sflag:s17] =	ssyncset.done $0x0;
	(pc) =	sbr.rel @!p0 .LBB2_2-.Ltmp0, $4  }
0x28: {  	s18 =	sadd.s32 s20, s19;
	[sflag:s17] =	ssyncadd.s32 $0xFFFFE800  }
0x29: {  	[hbm4b:s18+s2] =	stream.linear.scatter [tilespmem:s7], [sflag:$0x2], $0x9000, $0x38;
	[tilespmem:$0x9240] =	vst v63  }
0x2a: {  	_ =	swait.ge [sflag:s3], $0x9000  }
0x2b: {  	s19 =	sadd.s32 $0xFFFFFFFF, s31;
	[sflag:s3] =	ssyncset.done $0x0  }
.LBB2_1:
0x2c: {  	p0 =	sne.s32 s19, $0x1;
	s19 =	sadd.s32 $0xFFFFFFFF, s19;
	[sflag:s3] =	ssyncadd.s32 $0xFFFF7000  }
0x2d: {  	[tilespmem:s2], [sflag:$0x2] =	stream.linear.gather [hbm4b:s4+s2], $0x240, $0x38;
	[tilespmem:$0x9240] =	vst v63  }
0x2e: {  	_ =	swait.ge [sflag:s3], $0x240  }
0x2f: {  	[sflag:s3] =	ssyncset.done $0x0  }
0x30: {  	[sflag:s3] =	ssyncadd.s32 $0xFFFFFDC0  }
0x31: {  	[tilespmem:s7], [sflag:$0x1] =	stream.indirect.gather [hbm4b:s5+s6], $0x40, s2, s6, $0xb8;
	[tilespmem:$0x9240] =	vst v63  }
0x32: {  	_ = 	snop  }
0x33: {  	[tilespmem:s8], [sflag:$0x1] =	stream.indirect.gather [hbm4b:s5+s6], $0x40, s6, s6, $0xb8;
	[tilespmem:$0x9240] =	vst v63  }
0x34: {  	_ = 	snop  }
0x35: {  	[tilespmem:s10], [sflag:$0x1] =	stream.indirect.gather [hbm4b:s5+s6], $0x40, s9, s6, $0xb8;
	[tilespmem:$0x9240] =	vst v63  }
0x36: {  	_ = 	snop  }
0x37: {  	[tilespmem:s12], [sflag:$0x1] =	stream.indirect.gather [hbm4b:s5+s6], $0x40, s11, s6, $0xb8;
	[tilespmem:$0x9240] =	vst v63  }
0x38: {  	_ = 	snop  }
0x39: {  	[tilespmem:s14], [sflag:$0x1] =	stream.indirect.gather [hbm4b:s5+s6], $0x40, s13, s6, $0xb8;
	[tilespmem:$0x9240] =	vst v63  }
0x3a: {  	_ = 	snop  }
0x3b: {  	[tilespmem:s16], [sflag:$0x1] =	stream.indirect.gather [hbm4b:s5+s6], $0x40, s15, s6, $0xb8;
	[tilespmem:$0x9240] =	vst v63  }
0x3c: {  	_ =	swait.ge [sflag:s17], $0x1800  }
0x3d: {  	[sflag:s17] =	ssyncset.done $0x0  }
0x3e: {  	[sflag:s17] =	ssyncadd.s32 $0xFFFFE800  }
0x3f: {  	_ =	swait.ge [sflag:s17], $0x1800  }
0x40: {  	[sflag:s17] =	ssyncset.done $0x0  }
0x41: {  	[sflag:s17] =	ssyncadd.s32 $0xFFFFE800  }
0x42: {  	_ =	swait.ge [sflag:s17], $0x1800  }
0x43: {  	[sflag:s17] =	ssyncset.done $0x0  }
0x44: {  	[sflag:s17] =	ssyncadd.s32 $0xFFFFE800  }
0x45: {  	_ =	swait.ge [sflag:s17], $0x1800  }
0x46: {  	[sflag:s17] =	ssyncset.done $0x0  }
0x47: {  	[sflag:s17] =	ssyncadd.s32 $0xFFFFE800  }
0x48: {  	_ =	swait.ge [sflag:s17], $0x1800  }
0x49: {  	[sflag:s17] =	ssyncset.done $0x0  }
0x4a: {  	[sflag:s17] =	ssyncadd.s32 $0xFFFFE800  }
0x4b: {  	_ =	swait.ge [sflag:s17], $0x1800  }
.Ltmp1:
0x4c: {  	[sflag:s17] =	ssyncset.done $0x0;
	(pc) =	sbr.rel @p0 .LBB2_1-.Ltmp1, $4  }
0x4d: {  	[sflag:s17] =	ssyncadd.s32 $0xFFFFE800  }
0x4e: {  	[hbm4b:s18+s2] =	stream.linear.scatter [tilespmem:s7], [sflag:$0x2], $0x9000, $0x38;
	[tilespmem:$0x9240] =	vst v63  }
0x4f: {  	_ =	swait.ge [sflag:s3], $0x9000  }
0x50: {  	[sflag:s3] =	ssyncset.done $0x0  }
.LBB2_2:
0x51: {  	[sflag:s3] =	ssyncadd.s32 $0xFFFF7000  }
0x52: {  	_ =	sfence.sel $0x180000  }
0x53: {  	[bflag:$0x0] =	sbarrier.arrive $0xFFFF  }
0x54: {  	p0 =	sne.s32 s0, $0x0;
	_ =	strace $0x90000047  }
0x55: {  	s0 =	sadd.s32 @!p0 $0x100000, s1;
	[bflag:$0x2] =	sbarrier.arrive $0xFFFF  }
0x56: {  	[sflag:s0] =	ssyncadd.tile.s32 @!p0 $0x1;
	_ =	shalt  }
.Lfunc_end2:
_tile_overlayer_lowered:
.L_overlay_start_2:
0x57: {  	(tag) =	ssettag $0x2  }
0x58: {  	s0 =	rddreg [dreg:$0x0];
	s2 =	stileid.u32  }
0x59: {  	s1 =	rddreg [dreg:$0x1];
	p0 =	sne.s32 s2, $0x0  }
0x5a: {  	s3 =	rddreg [dreg:$0x2];
	[bflag:$0x3] =	sbarrier.arrive $0xFFFF;
	s2 =	simm.s32 @!p0 $0x1C02  }
0x5b: {  	[timem:s3], [sflag:s2] =	dma.local @!p0 [hbm:s0], s1  }
0x5c: {  	s0 =	simm.s32 @!p0 $0x2  }
0x5d: {  	_ =	swait.ge @!p0 [sflag:s0], s1  }
0x5e: {  	s1 =	ssub.s32 @!p0 $0x0, s1;
	[sflag:s0] =	ssyncset.done @!p0 $0x0  }
0x5f: {  	[sflag:s0] =	ssyncadd.s32 @!p0 s1  }
0x60: {  	[bflag:$0x3] =	sbarrier.arrive $0xFFFF  }
0x61: {  	_ =	shalt  }

</sc_bundles>
